<compile_context>
chip_gen: v7x
topology: tpu7x:2x2x1
jax: 0.10.2.dev20260603
libtpu: 0.0.44.dev20260713+nightly
codegen_flags: <defaults>
</compile_context>

<pallas_src>
import functools

import jax
import jax.numpy as jnp
from jax import lax
from jax.experimental import pallas as pl
from jax.experimental.pallas import tpu as pltpu
from jax.experimental.pallas import tpu_sc as plsc

N_NODES = 10000
N_PAD = 10240
NC = 2
NS = 16
NW = NC * NS
CHUNK = 128
KROW = 1
SUPER = KROW * CHUNK
NBUF = 4
SPAN = N_PAD // NS

_mesh = plsc.VectorSubcoreMesh(
    core_axis_name="c", subcore_axis_name="s", num_cores=NC, num_subcores=NS
)
_sc_params = pltpu.CompilerParams(use_tc_tiling_on_sc=False)


def _deg_body(nsup, dst_hbm, zeros_hbm, out_hbm, dst_v, ones_v, acc):
    cid = lax.axis_index("c")
    sid = lax.axis_index("s")
    wid = cid * NS + sid
    pltpu.sync_copy(zeros_hbm.at[pl.ds(sid * SPAN, SPAN)],
                    acc.at[pl.ds(sid * SPAN, SPAN)])
    for i in range(SUPER // 16):
        ones_v[pl.ds(i * 16, 16)] = jnp.full((16,), 1.0, jnp.float32)
    pltpu.sync_copy(dst_hbm.at[wid], dst_v)
    plsc.subcore_barrier()

    def sup_step(s, carry):
        pltpu.sync_copy(ones_v, acc.at[dst_v.at[s]],
                        add=True)
        return carry

    lax.fori_loop(0, nsup, sup_step, 0)
    plsc.subcore_barrier()
    pltpu.sync_copy(acc.at[pl.ds(sid * SPAN, SPAN)],
                    out_hbm.at[cid, pl.ds(sid * SPAN, SPAN)])


def _edge_body(nsup, table_hbm, src_hbm, dst_hbm, zeros_hbm, out_hbm,
               src_v, dst_v, rows_v, acc):
    cid = lax.axis_index("c")
    sid = lax.axis_index("s")
    wid = cid * NS + sid
    pltpu.sync_copy(zeros_hbm.at[pl.ds(sid * SPAN, SPAN)],
                    acc.at[pl.ds(sid * SPAN, SPAN)])
    pltpu.sync_copy(src_hbm.at[wid], src_v)
    pltpu.sync_copy(dst_hbm.at[wid], dst_v)
    plsc.subcore_barrier()

    def sup_step(s, carry):
        pltpu.sync_copy(table_hbm.at[src_v.at[s]], rows_v)
        pltpu.sync_copy(rows_v, acc.at[dst_v.at[s]], add=True)
        return carry

    lax.fori_loop(0, nsup, sup_step, 0)
    plsc.subcore_barrier()
    pltpu.sync_copy(acc.at[pl.ds(sid * SPAN, SPAN)],
                    out_hbm.at[cid, pl.ds(sid * SPAN, SPAN)])


def _tc1_body(x_ref, w1_ref, degp_ref, g1_ref, dinv_ref):
    deg = degp_ref[0] + degp_ref[1] + 1.0
    dinv16 = jnp.broadcast_to(lax.rsqrt(deg)[:, None], g1_ref.shape)
    h = jnp.dot(x_ref[...], w1_ref[...], preferred_element_type=jnp.float32)
    g1_ref[...] = h * dinv16
    dinv_ref[...] = dinv16


def _tc2_body(p_ref, g1_ref, dinv_ref, b1_ref, g2_ref):
    agg = p_ref[0] + p_ref[1] + g1_ref[...]
    z = jnp.maximum(agg * dinv_ref[...] + b1_ref[...][None, :], 0.0)
    g2_ref[...] = z * dinv_ref[...]


def _tc3_body(p_ref, g2_ref, dinv_ref, w2_ref, b2_ref, out_ref):
    a = (p_ref[0] + p_ref[1] + g2_ref[...]) * dinv_ref[...]
    out_ref[...] = (
        jnp.dot(a, w2_ref[...], preferred_element_type=jnp.float32)
        + b2_ref[...][None, :]
    )


def kernel(x, edge_index, W1, b1, W2, b2):
    n = x.shape[0]
    e = edge_index.shape[1]
    nsup = -(-e // (NW * SUPER))
    nsup_alloc = nsup

    e_real = NW * SUPER * nsup
    ei = edge_index.astype(jnp.int32)
    pad = jnp.full((e_real - e,), n, jnp.int32)
    src3 = jnp.concatenate([ei[0], pad]).reshape(NW, nsup, SUPER)
    dst3 = jnp.concatenate([ei[1], pad]).reshape(NW, nsup, SUPER)

    x_pad = jnp.pad(x, ((0, N_PAD - n), (0, 0)))
    zeros1 = jnp.zeros((N_PAD,), jnp.float32)
    zeros16 = jnp.zeros((N_PAD, 16), jnp.float32)

    deg_call = pl.kernel(
        functools.partial(_deg_body, nsup),
        out_type=jax.ShapeDtypeStruct((NC, N_PAD), jnp.float32),
        mesh=_mesh,
        compiler_params=_sc_params,
        scratch_types=[
            pltpu.VMEM((nsup_alloc, SUPER), jnp.int32),
            pltpu.VMEM((SUPER,), jnp.float32),
            pltpu.VMEM_SHARED((N_PAD,), jnp.float32),
        ],
    )
    degp = deg_call(dst3, zeros1)


    edge_call = pl.kernel(
        functools.partial(_edge_body, nsup),
        out_type=jax.ShapeDtypeStruct((NC, N_PAD, 16), jnp.float32),
        mesh=_mesh,
        compiler_params=_sc_params,
        scratch_types=[
            pltpu.VMEM((nsup_alloc, SUPER), jnp.int32),
            pltpu.VMEM((nsup_alloc, SUPER), jnp.int32),
            pltpu.VMEM((SUPER, 16), jnp.float32),
            pltpu.VMEM_SHARED((N_PAD, 16), jnp.float32),
        ],
    )

    g1, dinv = pl.pallas_call(
        _tc1_body,
        out_shape=(
            jax.ShapeDtypeStruct((N_PAD, 16), jnp.float32),
            jax.ShapeDtypeStruct((N_PAD, 16), jnp.float32),
        ),
    )(x_pad, W1, degp)

    p1 = edge_call(g1, src3, dst3, zeros16)

    g2 = pl.pallas_call(
        _tc2_body,
        out_shape=jax.ShapeDtypeStruct((N_PAD, 16), jnp.float32),
    )(p1, g1, dinv, b1)

    p2 = edge_call(g2, src3, dst3, zeros16)

    out = pl.pallas_call(
        _tc3_body,
        out_shape=jax.ShapeDtypeStruct((N_PAD, 64), jnp.float32),
    )(p2, g2, dinv, W2, b2)

    return out[:n]

# --- scband reference (transcript-rebuilt; emitter-appended) ---
"""Pipeline reference for scband-gcn-66589172957447 (READ-ONLY COPY).

The authoritative reference and input builder live on the scoring server;
editing this copy changes nothing except your own understanding.
"""

import jax, jax.numpy as jnp
import numpy as np

N_NODES = 10000
IN_CH = 128
HID = 16
OUT_CH = 64
N_EDGES = 320000


def gcn_conv(x, edge_index, W, b):
    N = x.shape[0]
    src = edge_index[0]
    dst = edge_index[1]
    # add self loops (PyG GCNConv default add_self_loops=True)
    loop = jnp.arange(N, dtype=src.dtype)
    src = jnp.concatenate([src, loop])
    dst = jnp.concatenate([dst, loop])
    # symmetric normalization D^{-1/2} (A+I) D^{-1/2}
    deg = jnp.zeros((N,), dtype=x.dtype).at[dst].add(1.0)
    dinv = jnp.where(deg > 0, jax.lax.rsqrt(deg), 0.0)
    norm = dinv[src] * dinv[dst]
    # linear transform then message passing (scatter-add over dst)
    h = x @ W
    msg = h[src] * norm[:, None]
    out = jnp.zeros((N, h.shape[1]), dtype=x.dtype).at[dst].add(msg)
    return out + b


def setup_inputs(seed: int = 0) -> dict:
    key = jax.random.key(seed)
    k1, k2, k3, k4, k5 = jax.random.split(key, 5)
    x = jax.random.normal(k1, (N_NODES, IN_CH), dtype=jnp.float32)
    edge_index = jax.random.randint(k2, (2, N_EDGES), 0, N_NODES, dtype=jnp.int64)
    # glorot-style init for GCNConv weights
    W1 = jax.random.normal(k3, (IN_CH, HID), dtype=jnp.float32) * (1.0 / np.sqrt(IN_CH))
    b1 = jnp.zeros((HID,), dtype=jnp.float32)
    W2 = jax.random.normal(k4, (HID, OUT_CH), dtype=jnp.float32) * (1.0 / np.sqrt(HID))
    b2 = jnp.zeros((OUT_CH,), dtype=jnp.float32)
    return {"x": x, "edge_index": edge_index, "W1": W1, "b1": b1, "W2": W2, "b2": b2}


def reference(x, edge_index, W1, b1, W2, b2):
    # eval mode: dropout is identity
    h = gcn_conv(x, edge_index, W1, b1)
    h = jax.nn.relu(h)
    out = gcn_conv(h, edge_index, W2, b2)
    return out

if __name__ == "__main__":
    import jax
    _d = setup_inputs()
    print(jax.jit(kernel)(*tuple(_d.values())))

</pallas_src>

<mosaic_0001>
#map = affine_map<(d0, d1) -> (0, 0)>
#map1 = affine_map<(d0, d1) -> (0, 0, 0)>
module attributes {stable_mosaic.version = 14 : i64} {
  func.func @_edge_body(%arg0: i32, %arg1: i32, %arg2: memref<10240x16xf32, #tpu.memory_space<hbm>>, %arg3: memref<32x79x128xi32, #tpu.memory_space<hbm>>, %arg4: memref<32x79x128xi32, #tpu.memory_space<hbm>>, %arg5: memref<10240x16xf32, #tpu.memory_space<hbm>>, %arg6: memref<2x10240x16xf32, #tpu.memory_space<hbm>>, %arg7: memref<79x128xi32, #tpu.memory_space<vmem>>, %arg8: memref<79x128xi32, #tpu.memory_space<vmem>>, %arg9: memref<128x16xf32, #tpu.memory_space<vmem>>, %arg10: memref<10240x16xf32, #tpu.memory_space<vmem_shared>>) attributes {dimension_semantics = [#tpu.dimension_semantics<core_parallel>, #tpu.dimension_semantics<subcore_parallel>], iteration_bounds = array<i64: 2, 16>, scalar_prefetch = 0 : i64, scratch_operands = 4 : i64, tpu.core_type = #tpu.core_type<sc_vector_subcore>, window_params = [{transform_indices = #map}, {transform_indices = #map1}, {transform_indices = #map1}, {transform_indices = #map}, {transform_indices = #map1}]} {
    %mul3A = arith.constant 16 : i32
    %mul3A_0 = arith.muli %arg0, %mul3A : i32
    %add3A = arith.addi %mul3A_0, %arg1 : i32
    %mul3A_1 = arith.constant 640 : i32
    %mul3A_2 = arith.muli %arg1, %mul3A_1 : i32
    %mul3A_3 = arith.constant 640 : i32
    %mul3A_4 = arith.muli %arg1, %mul3A_3 : i32
    "tpu.region"() ({
      %run_scoped3A = tpu.sem_alloc : memref<!tpu.dma_semaphore, #tpu.memory_space<semaphore_mem>>
      %dma_start3A = arith.constant 0 : i32
      %dma_start3A_15 = tpu.memref_slice %arg10[%mul3A_4, %dma_start3A] : memref<10240x16xf32, #tpu.memory_space<vmem_shared>> -> memref<640x16xf32, #tpu.memory_space<vmem_shared>>
      %dma_start3A_16 = arith.constant 0 : i32
      %dma_start3A_17 = tpu.memref_slice %arg5[%mul3A_2, %dma_start3A_16] : memref<10240x16xf32, #tpu.memory_space<hbm>> -> memref<640x16xf32, #tpu.memory_space<hbm>>
      tpu.enqueue_dma source(%dma_start3A_17 : memref<640x16xf32, #tpu.memory_space<hbm>>) target(%dma_start3A_15 : memref<640x16xf32, #tpu.memory_space<vmem_shared>>) target_semaphore(%run_scoped3A : memref<!tpu.dma_semaphore, #tpu.memory_space<semaphore_mem>>)
      %dma_wait3A = arith.constant 0 : i32
      %dma_wait3A_18 = tpu.memref_slice %arg10[%mul3A_4, %dma_wait3A] : memref<10240x16xf32, #tpu.memory_space<vmem_shared>> -> memref<640x16xf32, #tpu.memory_space<vmem_shared>>
      %dma_wait3A_19 = arith.constant 0 : i32
      %dma_wait3A_20 = tpu.memref_slice %arg5[%mul3A_2, %dma_wait3A_19] : memref<10240x16xf32, #tpu.memory_space<hbm>> -> memref<640x16xf32, #tpu.memory_space<hbm>>
      tpu.wait_dma2 semaphore(%run_scoped3A : memref<!tpu.dma_semaphore, #tpu.memory_space<semaphore_mem>>) src(%dma_wait3A_20 : memref<640x16xf32, #tpu.memory_space<hbm>>) dst(%dma_wait3A_18 : memref<640x16xf32, #tpu.memory_space<vmem_shared>>)
      tpu.yield
    }) : () -> ()
    "tpu.region"() ({
      %run_scoped3A = tpu.sem_alloc : memref<!tpu.dma_semaphore, #tpu.memory_space<semaphore_mem>>
      %dma_start3A = arith.constant 0 : i32
      %dma_start3A_15 = arith.constant 0 : i32
      %dma_start3A_16 = tpu.memref_slice %arg3[%add3A, %dma_start3A, %dma_start3A_15] : memref<32x79x128xi32, #tpu.memory_space<hbm>> -> memref<1x79x128xi32, #tpu.memory_space<hbm>>
      %dma_start3A_17 = tpu.memref_squeeze %dma_start3A_16 : memref<1x79x128xi32, #tpu.memory_space<hbm>> -> memref<79x128xi32, #tpu.memory_space<hbm>>
      %dma_start3A_18 = arith.constant 0 : i32
      %dma_start3A_19 = arith.constant 0 : i32
      %dma_start3A_20 = tpu.memref_slice %arg3[%add3A, %dma_start3A_18, %dma_start3A_19] : memref<32x79x128xi32, #tpu.memory_space<hbm>> -> memref<1x79x128xi32, #tpu.memory_space<hbm>>
      %dma_start3A_21 = tpu.memref_squeeze %dma_start3A_20 : memref<1x79x128xi32, #tpu.memory_space<hbm>> -> memref<79x128xi32, #tpu.memory_space<hbm>>
      tpu.enqueue_dma source(%dma_start3A_21 : memref<79x128xi32, #tpu.memory_space<hbm>>) target(%arg7 : memref<79x128xi32, #tpu.memory_space<vmem>>) target_semaphore(%run_scoped3A : memref<!tpu.dma_semaphore, #tpu.memory_space<semaphore_mem>>)
      %dma_wait3A = arith.constant 0 : i32
      %dma_wait3A_22 = arith.constant 0 : i32
      %dma_wait3A_23 = tpu.memref_slice %arg3[%add3A, %dma_wait3A, %dma_wait3A_22] : memref<32x79x128xi32, #tpu.memory_space<hbm>> -> memref<1x79x128xi32, #tpu.memory_space<hbm>>
      %dma_wait3A_24 = tpu.memref_squeeze %dma_wait3A_23 : memref<1x79x128xi32, #tpu.memory_space<hbm>> -> memref<79x128xi32, #tpu.memory_space<hbm>>
      %dma_wait3A_25 = arith.constant 0 : i32
      %dma_wait3A_26 = arith.constant 0 : i32
      %dma_wait3A_27 = tpu.memref_slice %arg3[%add3A, %dma_wait3A_25, %dma_wait3A_26] : memref<32x79x128xi32, #tpu.memory_space<hbm>> -> memref<1x79x128xi32, #tpu.memory_space<hbm>>
      %dma_wait3A_28 = tpu.memref_squeeze %dma_wait3A_27 : memref<1x79x128xi32, #tpu.memory_space<hbm>> -> memref<79x128xi32, #tpu.memory_space<hbm>>
      tpu.wait_dma2 semaphore(%run_scoped3A : memref<!tpu.dma_semaphore, #tpu.memory_space<semaphore_mem>>) src(%dma_wait3A_28 : memref<79x128xi32, #tpu.memory_space<hbm>>) dst(%arg7 : memref<79x128xi32, #tpu.memory_space<vmem>>)
      tpu.yield
    }) : () -> ()
    "tpu.region"() ({
      %run_scoped3A = tpu.sem_alloc : memref<!tpu.dma_semaphore, #tpu.memory_space<semaphore_mem>>
      %dma_start3A = arith.constant 0 : i32
      %dma_start3A_15 = arith.constant 0 : i32
      %dma_start3A_16 = tpu.memref_slice %arg4[%add3A, %dma_start3A, %dma_start3A_15] : memref<32x79x128xi32, #tpu.memory_space<hbm>> -> memref<1x79x128xi32, #tpu.memory_space<hbm>>
      %dma_start3A_17 = tpu.memref_squeeze %dma_start3A_16 : memref<1x79x128xi32, #tpu.memory_space<hbm>> -> memref<79x128xi32, #tpu.memory_space<hbm>>
      %dma_start3A_18 = arith.constant 0 : i32
      %dma_start3A_19 = arith.constant 0 : i32
      %dma_start3A_20 = tpu.memref_slice %arg4[%add3A, %dma_start3A_18, %dma_start3A_19] : memref<32x79x128xi32, #tpu.memory_space<hbm>> -> memref<1x79x128xi32, #tpu.memory_space<hbm>>
      %dma_start3A_21 = tpu.memref_squeeze %dma_start3A_20 : memref<1x79x128xi32, #tpu.memory_space<hbm>> -> memref<79x128xi32, #tpu.memory_space<hbm>>
      tpu.enqueue_dma source(%dma_start3A_21 : memref<79x128xi32, #tpu.memory_space<hbm>>) target(%arg8 : memref<79x128xi32, #tpu.memory_space<vmem>>) target_semaphore(%run_scoped3A : memref<!tpu.dma_semaphore, #tpu.memory_space<semaphore_mem>>)
      %dma_wait3A = arith.constant 0 : i32
      %dma_wait3A_22 = arith.constant 0 : i32
      %dma_wait3A_23 = tpu.memref_slice %arg4[%add3A, %dma_wait3A, %dma_wait3A_22] : memref<32x79x128xi32, #tpu.memory_space<hbm>> -> memref<1x79x128xi32, #tpu.memory_space<hbm>>
      %dma_wait3A_24 = tpu.memref_squeeze %dma_wait3A_23 : memref<1x79x128xi32, #tpu.memory_space<hbm>> -> memref<79x128xi32, #tpu.memory_space<hbm>>
      %dma_wait3A_25 = arith.constant 0 : i32
      %dma_wait3A_26 = arith.constant 0 : i32
      %dma_wait3A_27 = tpu.memref_slice %arg4[%add3A, %dma_wait3A_25, %dma_wait3A_26] : memref<32x79x128xi32, #tpu.memory_space<hbm>> -> memref<1x79x128xi32, #tpu.memory_space<hbm>>
      %dma_wait3A_28 = tpu.memref_squeeze %dma_wait3A_27 : memref<1x79x128xi32, #tpu.memory_space<hbm>> -> memref<79x128xi32, #tpu.memory_space<hbm>>
      tpu.wait_dma2 semaphore(%run_scoped3A : memref<!tpu.dma_semaphore, #tpu.memory_space<semaphore_mem>>) src(%dma_wait3A_28 : memref<79x128xi32, #tpu.memory_space<hbm>>) dst(%arg8 : memref<79x128xi32, #tpu.memory_space<vmem>>)
      tpu.yield
    }) : () -> ()
    %barrier3A = arith.constant 0 : index
    tpu.barrier barrier_id(%barrier3A)
    %scan3A = arith.constant 0 : i32
    %scan3A_5 = arith.constant 0 : i32
    %scan3A_6 = arith.constant 79 : i32
    %scan3A_7 = arith.addi %scan3A_5, %scan3A_6 : i32
    %scan3A_8 = arith.constant 1 : i32
    scf.for %scan3A_15 = %scan3A_5 to %scan3A_7 step %scan3A_8  : i32 {
      "tpu.region"() ({
        %run_scoped3A = tpu.sem_alloc : memref<!tpu.dma_semaphore, #tpu.memory_space<semaphore_mem>>
        %dma_start3A = arith.constant 0 : i32
        %dma_start3A_16 = tpu.memref_slice %arg7[%scan3A_15, %dma_start3A] : memref<79x128xi32, #tpu.memory_space<vmem>> -> memref<1x128xi32, #tpu.memory_space<vmem>>
        %dma_start3A_17 = tpu.memref_squeeze %dma_start3A_16 : memref<1x128xi32, #tpu.memory_space<vmem>> -> memref<128xi32, #tpu.memory_space<vmem>>
        %dma_start3A_18 = arith.constant 0 : i32
        %dma_start3A_19 = arith.constant 0 : i32
        %dma_start3A_20 = tpu.memref_slice %arg2[%dma_start3A_18, %dma_start3A_19] : memref<10240x16xf32, #tpu.memory_space<hbm>> -> memref<10240x16xf32, #tpu.memory_space<hbm>>
        tpu.enqueue_indirect_dma source(%dma_start3A_20 : memref<10240x16xf32, #tpu.memory_space<hbm>>) target(%arg9 : memref<128x16xf32, #tpu.memory_space<vmem>>) offsets(%dma_start3A_17 : memref<128xi32, #tpu.memory_space<vmem>>) semaphore(%run_scoped3A : memref<!tpu.dma_semaphore, #tpu.memory_space<semaphore_mem>>)
        %dma_wait3A = arith.constant 0 : i32
        %dma_wait3A_21 = tpu.memref_slice %arg7[%scan3A_15, %dma_wait3A] : memref<79x128xi32, #tpu.memory_space<vmem>> -> memref<1x128xi32, #tpu.memory_space<vmem>>
        %dma_wait3A_22 = tpu.memref_squeeze %dma_wait3A_21 : memref<1x128xi32, #tpu.memory_space<vmem>> -> memref<128xi32, #tpu.memory_space<vmem>>
        %dma_wait3A_23 = arith.constant 0 : i32
        %dma_wait3A_24 = arith.constant 0 : i32
        %dma_wait3A_25 = tpu.memref_slice %arg2[%dma_wait3A_23, %dma_wait3A_24] : memref<10240x16xf32, #tpu.memory_space<hbm>> -> memref<10240x16xf32, #tpu.memory_space<hbm>>
        tpu.wait_indirect_dma semaphore(%run_scoped3A : memref<!tpu.dma_semaphore, #tpu.memory_space<semaphore_mem>>) src(%dma_wait3A_25 : memref<10240x16xf32, #tpu.memory_space<hbm>>) dst(%arg9 : memref<128x16xf32, #tpu.memory_space<vmem>>)
        tpu.yield
      }) : () -> ()
      "tpu.region"() ({
        %run_scoped3A = tpu.sem_alloc : memref<!tpu.dma_semaphore, #tpu.memory_space<semaphore_mem>>
        %dma_start3A = arith.constant 0 : i32
        %dma_start3A_16 = tpu.memref_slice %arg8[%scan3A_15, %dma_start3A] : memref<79x128xi32, #tpu.memory_space<vmem>> -> memref<1x128xi32, #tpu.memory_space<vmem>>
        %dma_start3A_17 = tpu.memref_squeeze %dma_start3A_16 : memref<1x128xi32, #tpu.memory_space<vmem>> -> memref<128xi32, #tpu.memory_space<vmem>>
        %dma_start3A_18 = arith.constant 0 : i32
        %dma_start3A_19 = arith.constant 0 : i32
        %dma_start3A_20 = tpu.memref_slice %arg10[%dma_start3A_18, %dma_start3A_19] : memref<10240x16xf32, #tpu.memory_space<vmem_shared>> -> memref<10240x16xf32, #tpu.memory_space<vmem_shared>>
        tpu.enqueue_indirect_dma source(%arg9 : memref<128x16xf32, #tpu.memory_space<vmem>>) target(%dma_start3A_20 : memref<10240x16xf32, #tpu.memory_space<vmem_shared>>) offsets(%dma_start3A_17 : memref<128xi32, #tpu.memory_space<vmem>>) semaphore(%run_scoped3A : memref<!tpu.dma_semaphore, #tpu.memory_space<semaphore_mem>>) {add = true}
        %dma_wait3A = arith.constant 0 : i32
        %dma_wait3A_21 = tpu.memref_slice %arg8[%scan3A_15, %dma_wait3A] : memref<79x128xi32, #tpu.memory_space<vmem>> -> memref<1x128xi32, #tpu.memory_space<vmem>>
        %dma_wait3A_22 = tpu.memref_squeeze %dma_wait3A_21 : memref<1x128xi32, #tpu.memory_space<vmem>> -> memref<128xi32, #tpu.memory_space<vmem>>
        %dma_wait3A_23 = arith.constant 0 : i32
        %dma_wait3A_24 = arith.constant 0 : i32
        %dma_wait3A_25 = tpu.memref_slice %arg10[%dma_wait3A_23, %dma_wait3A_24] : memref<10240x16xf32, #tpu.memory_space<vmem_shared>> -> memref<10240x16xf32, #tpu.memory_space<vmem_shared>>
        tpu.wait_indirect_dma semaphore(%run_scoped3A : memref<!tpu.dma_semaphore, #tpu.memory_space<semaphore_mem>>) src(%arg9 : memref<128x16xf32, #tpu.memory_space<vmem>>) dst(%dma_wait3A_25 : memref<10240x16xf32, #tpu.memory_space<vmem_shared>>)
        tpu.yield
      }) : () -> ()
    }
    %scan3A_9 = arith.constant 79 : i32
    %barrier3A_10 = arith.constant 0 : index
    tpu.barrier barrier_id(%barrier3A_10)
    %mul3A_11 = arith.constant 640 : i32
    %mul3A_12 = arith.muli %arg1, %mul3A_11 : i32
    %mul3A_13 = arith.constant 640 : i32
    %mul3A_14 = arith.muli %arg1, %mul3A_13 : i32
    "tpu.region"() ({
      %run_scoped3A = tpu.sem_alloc : memref<!tpu.dma_semaphore, #tpu.memory_space<semaphore_mem>>
      %dma_start3A = arith.constant 0 : i32
      %dma_start3A_15 = tpu.memref_slice %arg6[%arg0, %mul3A_14, %dma_start3A] : memref<2x10240x16xf32, #tpu.memory_space<hbm>> -> memref<1x640x16xf32, #tpu.memory_space<hbm>>
      %dma_start3A_16 = tpu.memref_squeeze %dma_start3A_15 : memref<1x640x16xf32, #tpu.memory_space<hbm>> -> memref<640x16xf32, #tpu.memory_space<hbm>>
      %dma_start3A_17 = arith.constant 0 : i32
      %dma_start3A_18 = tpu.memref_slice %arg10[%mul3A_12, %dma_start3A_17] : memref<10240x16xf32, #tpu.memory_space<vmem_shared>> -> memref<640x16xf32, #tpu.memory_space<vmem_shared>>
      tpu.enqueue_dma source(%dma_start3A_18 : memref<640x16xf32, #tpu.memory_space<vmem_shared>>) target(%dma_start3A_16 : memref<640x16xf32, #tpu.memory_space<hbm>>) target_semaphore(%run_scoped3A : memref<!tpu.dma_semaphore, #tpu.memory_space<semaphore_mem>>)
      %dma_wait3A = arith.constant 0 : i32
      %dma_wait3A_19 = tpu.memref_slice %arg6[%arg0, %mul3A_14, %dma_wait3A] : memref<2x10240x16xf32, #tpu.memory_space<hbm>> -> memref<1x640x16xf32, #tpu.memory_space<hbm>>
      %dma_wait3A_20 = tpu.memref_squeeze %dma_wait3A_19 : memref<1x640x16xf32, #tpu.memory_space<hbm>> -> memref<640x16xf32, #tpu.memory_space<hbm>>
      %dma_wait3A_21 = arith.constant 0 : i32
      %dma_wait3A_22 = tpu.memref_slice %arg10[%mul3A_12, %dma_wait3A_21] : memref<10240x16xf32, #tpu.memory_space<vmem_shared>> -> memref<640x16xf32, #tpu.memory_space<vmem_shared>>
      tpu.wait_dma2 semaphore(%run_scoped3A : memref<!tpu.dma_semaphore, #tpu.memory_space<semaphore_mem>>) src(%dma_wait3A_22 : memref<640x16xf32, #tpu.memory_space<vmem_shared>>) dst(%dma_wait3A_20 : memref<640x16xf32, #tpu.memory_space<hbm>>)
      tpu.yield
    }) : () -> ()
    return
  }
}

#map = affine_map<(d0, d1) -> (0, 0, 0)>
#map1 = affine_map<(d0, d1) -> (0)>
#map2 = affine_map<(d0, d1) -> (0, 0)>
module attributes {stable_mosaic.version = 14 : i64} {
  func.func @_deg_body(%arg0: i32, %arg1: i32, %arg2: memref<32x79x128xi32, #tpu.memory_space<hbm>>, %arg3: memref<10240xf32, #tpu.memory_space<hbm>>, %arg4: memref<2x10240xf32, #tpu.memory_space<hbm>>, %arg5: memref<79x128xi32, #tpu.memory_space<vmem>>, %arg6: memref<128xf32, #tpu.memory_space<vmem>>, %arg7: memref<10240xf32, #tpu.memory_space<vmem_shared>>) attributes {dimension_semantics = [#tpu.dimension_semantics<core_parallel>, #tpu.dimension_semantics<subcore_parallel>], iteration_bounds = array<i64: 2, 16>, scalar_prefetch = 0 : i64, scratch_operands = 3 : i64, tpu.core_type = #tpu.core_type<sc_vector_subcore>, window_params = [{transform_indices = #map}, {transform_indices = #map1}, {transform_indices = #map2}]} {
    %mul3A = arith.constant 16 : i32
    %mul3A_0 = arith.muli %arg0, %mul3A : i32
    %add3A = arith.addi %mul3A_0, %arg1 : i32
    %mul3A_1 = arith.constant 640 : i32
    %mul3A_2 = arith.muli %arg1, %mul3A_1 : i32
    %mul3A_3 = arith.constant 640 : i32
    %mul3A_4 = arith.muli %arg1, %mul3A_3 : i32
    "tpu.region"() ({
      %run_scoped3A = tpu.sem_alloc : memref<!tpu.dma_semaphore, #tpu.memory_space<semaphore_mem>>
      %dma_start3A = tpu.memref_slice %arg7[%mul3A_4] : memref<10240xf32, #tpu.memory_space<vmem_shared>> -> memref<640xf32, #tpu.memory_space<vmem_shared>>
      %dma_start3A_61 = tpu.memref_slice %arg3[%mul3A_2] : memref<10240xf32, #tpu.memory_space<hbm>> -> memref<640xf32, #tpu.memory_space<hbm>>
      tpu.enqueue_dma source(%dma_start3A_61 : memref<640xf32, #tpu.memory_space<hbm>>) target(%dma_start3A : memref<640xf32, #tpu.memory_space<vmem_shared>>) target_semaphore(%run_scoped3A : memref<!tpu.dma_semaphore, #tpu.memory_space<semaphore_mem>>)
      %dma_wait3A = tpu.memref_slice %arg7[%mul3A_4] : memref<10240xf32, #tpu.memory_space<vmem_shared>> -> memref<640xf32, #tpu.memory_space<vmem_shared>>
      %dma_wait3A_62 = tpu.memref_slice %arg3[%mul3A_2] : memref<10240xf32, #tpu.memory_space<hbm>> -> memref<640xf32, #tpu.memory_space<hbm>>
      tpu.wait_dma2 semaphore(%run_scoped3A : memref<!tpu.dma_semaphore, #tpu.memory_space<semaphore_mem>>) src(%dma_wait3A_62 : memref<640xf32, #tpu.memory_space<hbm>>) dst(%dma_wait3A : memref<640xf32, #tpu.memory_space<vmem_shared>>)
      tpu.yield
    }) : () -> ()
    %broadcast_in_dim3A = arith.constant 1.000000e+00 : f32
    %broadcast_in_dim3A_5 = vector.broadcast %broadcast_in_dim3A : f32 to vector<16xf32>
    %swap3A = arith.constant 0 : index
    %swap3A_6 = tpu.vector_load %arg6[%swap3A] {strides = array<i32>} : memref<128xf32, #tpu.memory_space<vmem>>, vector<16xf32>,
    %swap3A_7 = vector.shape_cast %swap3A_6 : vector<16xf32> to vector<16xf32>
    %swap3A_8 = vector.shape_cast %broadcast_in_dim3A_5 : vector<16xf32> to vector<16xf32>
    tpu.vector_store %arg6[%swap3A], %swap3A_8 {strides = array<i32>} : memref<128xf32, #tpu.memory_space<vmem>>, vector<16xf32>,
    %broadcast_in_dim3A_9 = arith.constant 1.000000e+00 : f32
    %broadcast_in_dim3A_10 = vector.broadcast %broadcast_in_dim3A_9 : f32 to vector<16xf32>
    %swap3A_11 = arith.constant 16 : index
    %swap3A_12 = tpu.vector_load %arg6[%swap3A_11] {strides = array<i32>} : memref<128xf32, #tpu.memory_space<vmem>>, vector<16xf32>,
    %swap3A_13 = vector.shape_cast %swap3A_12 : vector<16xf32> to vector<16xf32>
    %swap3A_14 = vector.shape_cast %broadcast_in_dim3A_10 : vector<16xf32> to vector<16xf32>
    tpu.vector_store %arg6[%swap3A_11], %swap3A_14 {strides = array<i32>} : memref<128xf32, #tpu.memory_space<vmem>>, vector<16xf32>,
    %broadcast_in_dim3A_15 = arith.constant 1.000000e+00 : f32
    %broadcast_in_dim3A_16 = vector.broadcast %broadcast_in_dim3A_15 : f32 to vector<16xf32>
    %swap3A_17 = arith.constant 32 : index
    %swap3A_18 = tpu.vector_load %arg6[%swap3A_17] {strides = array<i32>} : memref<128xf32, #tpu.memory_space<vmem>>, vector<16xf32>,
    %swap3A_19 = vector.shape_cast %swap3A_18 : vector<16xf32> to vector<16xf32>
    %swap3A_20 = vector.shape_cast %broadcast_in_dim3A_16 : vector<16xf32> to vector<16xf32>
    tpu.vector_store %arg6[%swap3A_17], %swap3A_20 {strides = array<i32>} : memref<128xf32, #tpu.memory_space<vmem>>, vector<16xf32>,
    %broadcast_in_dim3A_21 = arith.constant 1.000000e+00 : f32
    %broadcast_in_dim3A_22 = vector.broadcast %broadcast_in_dim3A_21 : f32 to vector<16xf32>
    %swap3A_23 = arith.constant 48 : index
    %swap3A_24 = tpu.vector_load %arg6[%swap3A_23] {strides = array<i32>} : memref<128xf32, #tpu.memory_space<vmem>>, vector<16xf32>,
    %swap3A_25 = vector.shape_cast %swap3A_24 : vector<16xf32> to vector<16xf32>
    %swap3A_26 = vector.shape_cast %broadcast_in_dim3A_22 : vector<16xf32> to vector<16xf32>
    tpu.vector_store %arg6[%swap3A_23], %swap3A_26 {strides = array<i32>} : memref<128xf32, #tpu.memory_space<vmem>>, vector<16xf32>,
    %broadcast_in_dim3A_27 = arith.constant 1.000000e+00 : f32
    %broadcast_in_dim3A_28 = vector.broadcast %broadcast_in_dim3A_27 : f32 to vector<16xf32>
    %swap3A_29 = arith.constant 64 : index
    %swap3A_30 = tpu.vector_load %arg6[%swap3A_29] {strides = array<i32>} : memref<128xf32, #tpu.memory_space<vmem>>, vector<16xf32>,
    %swap3A_31 = vector.shape_cast %swap3A_30 : vector<16xf32> to vector<16xf32>
    %swap3A_32 = vector.shape_cast %broadcast_in_dim3A_28 : vector<16xf32> to vector<16xf32>
    tpu.vector_store %arg6[%swap3A_29], %swap3A_32 {strides = array<i32>} : memref<128xf32, #tpu.memory_space<vmem>>, vector<16xf32>,
    %broadcast_in_dim3A_33 = arith.constant 1.000000e+00 : f32
    %broadcast_in_dim3A_34 = vector.broadcast %broadcast_in_dim3A_33 : f32 to vector<16xf32>
    %swap3A_35 = arith.constant 80 : index
    %swap3A_36 = tpu.vector_load %arg6[%swap3A_35] {strides = array<i32>} : memref<128xf32, #tpu.memory_space<vmem>>, vector<16xf32>,
    %swap3A_37 = vector.shape_cast %swap3A_36 : vector<16xf32> to vector<16xf32>
    %swap3A_38 = vector.shape_cast %broadcast_in_dim3A_34 : vector<16xf32> to vector<16xf32>
    tpu.vector_store %arg6[%swap3A_35], %swap3A_38 {strides = array<i32>} : memref<128xf32, #tpu.memory_space<vmem>>, vector<16xf32>,
    %broadcast_in_dim3A_39 = arith.constant 1.000000e+00 : f32
    %broadcast_in_dim3A_40 = vector.broadcast %broadcast_in_dim3A_39 : f32 to vector<16xf32>
    %swap3A_41 = arith.constant 96 : index
    %swap3A_42 = tpu.vector_load %arg6[%swap3A_41] {strides = array<i32>} : memref<128xf32, #tpu.memory_space<vmem>>, vector<16xf32>,
    %swap3A_43 = vector.shape_cast %swap3A_42 : vector<16xf32> to vector<16xf32>
    %swap3A_44 = vector.shape_cast %broadcast_in_dim3A_40 : vector<16xf32> to vector<16xf32>
    tpu.vector_store %arg6[%swap3A_41], %swap3A_44 {strides = array<i32>} : memref<128xf32, #tpu.memory_space<vmem>>, vector<16xf32>,
    %broadcast_in_dim3A_45 = arith.constant 1.000000e+00 : f32
    %broadcast_in_dim3A_46 = vector.broadcast %broadcast_in_dim3A_45 : f32 to vector<16xf32>
    %swap3A_47 = arith.constant 112 : index
    %swap3A_48 = tpu.vector_load %arg6[%swap3A_47] {strides = array<i32>} : memref<128xf32, #tpu.memory_space<vmem>>, vector<16xf32>,
    %swap3A_49 = vector.shape_cast %swap3A_48 : vector<16xf32> to vector<16xf32>
    %swap3A_50 = vector.shape_cast %broadcast_in_dim3A_46 : vector<16xf32> to vector<16xf32>
    tpu.vector_store %arg6[%swap3A_47], %swap3A_50 {strides = array<i32>} : memref<128xf32, #tpu.memory_space<vmem>>, vector<16xf32>,
    "tpu.region"() ({
      %run_scoped3A = tpu.sem_alloc : memref<!tpu.dma_semaphore, #tpu.memory_space<semaphore_mem>>
      %dma_start3A = arith.constant 0 : i32
      %dma_start3A_61 = arith.constant 0 : i32
      %dma_start3A_62 = tpu.memref_slice %arg2[%add3A, %dma_start3A, %dma_start3A_61] : memref<32x79x128xi32, #tpu.memory_space<hbm>> -> memref<1x79x128xi32, #tpu.memory_space<hbm>>
      %dma_start3A_63 = tpu.memref_squeeze %dma_start3A_62 : memref<1x79x128xi32, #tpu.memory_space<hbm>> -> memref<79x128xi32, #tpu.memory_space<hbm>>
      %dma_start3A_64 = arith.constant 0 : i32
      %dma_start3A_65 = arith.constant 0 : i32
      %dma_start3A_66 = tpu.memref_slice %arg2[%add3A, %dma_start3A_64, %dma_start3A_65] : memref<32x79x128xi32, #tpu.memory_space<hbm>> -> memref<1x79x128xi32, #tpu.memory_space<hbm>>
      %dma_start3A_67 = tpu.memref_squeeze %dma_start3A_66 : memref<1x79x128xi32, #tpu.memory_space<hbm>> -> memref<79x128xi32, #tpu.memory_space<hbm>>
      tpu.enqueue_dma source(%dma_start3A_67 : memref<79x128xi32, #tpu.memory_space<hbm>>) target(%arg5 : memref<79x128xi32, #tpu.memory_space<vmem>>) target_semaphore(%run_scoped3A : memref<!tpu.dma_semaphore, #tpu.memory_space<semaphore_mem>>)
      %dma_wait3A = arith.constant 0 : i32
      %dma_wait3A_68 = arith.constant 0 : i32
      %dma_wait3A_69 = tpu.memref_slice %arg2[%add3A, %dma_wait3A, %dma_wait3A_68] : memref<32x79x128xi32, #tpu.memory_space<hbm>> -> memref<1x79x128xi32, #tpu.memory_space<hbm>>
      %dma_wait3A_70 = tpu.memref_squeeze %dma_wait3A_69 : memref<1x79x128xi32, #tpu.memory_space<hbm>> -> memref<79x128xi32, #tpu.memory_space<hbm>>
      %dma_wait3A_71 = arith.constant 0 : i32
      %dma_wait3A_72 = arith.constant 0 : i32
      %dma_wait3A_73 = tpu.memref_slice %arg2[%add3A, %dma_wait3A_71, %dma_wait3A_72] : memref<32x79x128xi32, #tpu.memory_space<hbm>> -> memref<1x79x128xi32, #tpu.memory_space<hbm>>
      %dma_wait3A_74 = tpu.memref_squeeze %dma_wait3A_73 : memref<1x79x128xi32, #tpu.memory_space<hbm>> -> memref<79x128xi32, #tpu.memory_space<hbm>>
      tpu.wait_dma2 semaphore(%run_scoped3A : memref<!tpu.dma_semaphore, #tpu.memory_space<semaphore_mem>>) src(%dma_wait3A_74 : memref<79x128xi32, #tpu.memory_space<hbm>>) dst(%arg5 : memref<79x128xi32, #tpu.memory_space<vmem>>)
      tpu.yield
    }) : () -> ()
    %barrier3A = arith.constant 0 : index
    tpu.barrier barrier_id(%barrier3A)
    %scan3A = arith.constant 0 : i32
    %scan3A_51 = arith.constant 0 : i32
    %scan3A_52 = arith.constant 79 : i32
    %scan3A_53 = arith.addi %scan3A_51, %scan3A_52 : i32
    %scan3A_54 = arith.constant 1 : i32
    scf.for %scan3A_61 = %scan3A_51 to %scan3A_53 step %scan3A_54  : i32 {
      "tpu.region"() ({
        %run_scoped3A = tpu.sem_alloc : memref<!tpu.dma_semaphore, #tpu.memory_space<semaphore_mem>>
        %dma_start3A = arith.constant 0 : i32
        %dma_start3A_62 = tpu.memref_slice %arg5[%scan3A_61, %dma_start3A] : memref<79x128xi32, #tpu.memory_space<vmem>> -> memref<1x128xi32, #tpu.memory_space<vmem>>
        %dma_start3A_63 = tpu.memref_squeeze %dma_start3A_62 : memref<1x128xi32, #tpu.memory_space<vmem>> -> memref<128xi32, #tpu.memory_space<vmem>>
        %dma_start3A_64 = arith.constant 0 : i32
        %dma_start3A_65 = tpu.memref_slice %arg7[%dma_start3A_64] : memref<10240xf32, #tpu.memory_space<vmem_shared>> -> memref<10240xf32, #tpu.memory_space<vmem_shared>>
        tpu.enqueue_indirect_dma source(%arg6 : memref<128xf32, #tpu.memory_space<vmem>>) target(%dma_start3A_65 : memref<10240xf32, #tpu.memory_space<vmem_shared>>) offsets(%dma_start3A_63 : memref<128xi32, #tpu.memory_space<vmem>>) semaphore(%run_scoped3A : memref<!tpu.dma_semaphore, #tpu.memory_space<semaphore_mem>>) {add = true}
        %dma_wait3A = arith.constant 0 : i32
        %dma_wait3A_66 = tpu.memref_slice %arg5[%scan3A_61, %dma_wait3A] : memref<79x128xi32, #tpu.memory_space<vmem>> -> memref<1x128xi32, #tpu.memory_space<vmem>>
        %dma_wait3A_67 = tpu.memref_squeeze %dma_wait3A_66 : memref<1x128xi32, #tpu.memory_space<vmem>> -> memref<128xi32, #tpu.memory_space<vmem>>
        %dma_wait3A_68 = arith.constant 0 : i32
        %dma_wait3A_69 = tpu.memref_slice %arg7[%dma_wait3A_68] : memref<10240xf32, #tpu.memory_space<vmem_shared>> -> memref<10240xf32, #tpu.memory_space<vmem_shared>>
        tpu.wait_indirect_dma semaphore(%run_scoped3A : memref<!tpu.dma_semaphore, #tpu.memory_space<semaphore_mem>>) src(%arg6 : memref<128xf32, #tpu.memory_space<vmem>>) dst(%dma_wait3A_69 : memref<10240xf32, #tpu.memory_space<vmem_shared>>)
        tpu.yield
      }) : () -> ()
    }
    %scan3A_55 = arith.constant 79 : i32
    %barrier3A_56 = arith.constant 0 : index
    tpu.barrier barrier_id(%barrier3A_56)
    %mul3A_57 = arith.constant 640 : i32
    %mul3A_58 = arith.muli %arg1, %mul3A_57 : i32
    %mul3A_59 = arith.constant 640 : i32
    %mul3A_60 = arith.muli %arg1, %mul3A_59 : i32
    "tpu.region"() ({
      %run_scoped3A = tpu.sem_alloc : memref<!tpu.dma_semaphore, #tpu.memory_space<semaphore_mem>>
      %dma_start3A = tpu.memref_slice %arg4[%arg0, %mul3A_60] : memref<2x10240xf32, #tpu.memory_space<hbm>> -> memref<1x640xf32, #tpu.memory_space<hbm>>
      %dma_start3A_61 = tpu.memref_squeeze %dma_start3A : memref<1x640xf32, #tpu.memory_space<hbm>> -> memref<640xf32, #tpu.memory_space<hbm>>
      %dma_start3A_62 = tpu.memref_slice %arg7[%mul3A_58] : memref<10240xf32, #tpu.memory_space<vmem_shared>> -> memref<640xf32, #tpu.memory_space<vmem_shared>>
      tpu.enqueue_dma source(%dma_start3A_62 : memref<640xf32, #tpu.memory_space<vmem_shared>>) target(%dma_start3A_61 : memref<640xf32, #tpu.memory_space<hbm>>) target_semaphore(%run_scoped3A : memref<!tpu.dma_semaphore, #tpu.memory_space<semaphore_mem>>)
      %dma_wait3A = tpu.memref_slice %arg4[%arg0, %mul3A_60] : memref<2x10240xf32, #tpu.memory_space<hbm>> -> memref<1x640xf32, #tpu.memory_space<hbm>>
      %dma_wait3A_63 = tpu.memref_squeeze %dma_wait3A : memref<1x640xf32, #tpu.memory_space<hbm>> -> memref<640xf32, #tpu.memory_space<hbm>>
      %dma_wait3A_64 = tpu.memref_slice %arg7[%mul3A_58] : memref<10240xf32, #tpu.memory_space<vmem_shared>> -> memref<640xf32, #tpu.memory_space<vmem_shared>>
      tpu.wait_dma2 semaphore(%run_scoped3A : memref<!tpu.dma_semaphore, #tpu.memory_space<semaphore_mem>>) src(%dma_wait3A_64 : memref<640xf32, #tpu.memory_space<vmem_shared>>) dst(%dma_wait3A_63 : memref<640xf32, #tpu.memory_space<hbm>>)
      tpu.yield
    }) : () -> ()
    return
  }
}

#map = affine_map<(d0, d1) -> (0, 0)>
#map1 = affine_map<(d0, d1) -> (0, 0, 0)>
module attributes {stable_mosaic.version = 14 : i64} {
  func.func @_edge_body(%arg0: i32, %arg1: i32, %arg2: memref<10240x16xf32, #tpu.memory_space<hbm>>, %arg3: memref<32x79x128xi32, #tpu.memory_space<hbm>>, %arg4: memref<32x79x128xi32, #tpu.memory_space<hbm>>, %arg5: memref<10240x16xf32, #tpu.memory_space<hbm>>, %arg6: memref<2x10240x16xf32, #tpu.memory_space<hbm>>, %arg7: memref<79x128xi32, #tpu.memory_space<vmem>>, %arg8: memref<79x128xi32, #tpu.memory_space<vmem>>, %arg9: memref<128x16xf32, #tpu.memory_space<vmem>>, %arg10: memref<10240x16xf32, #tpu.memory_space<vmem_shared>>) attributes {dimension_semantics = [#tpu.dimension_semantics<core_parallel>, #tpu.dimension_semantics<subcore_parallel>], iteration_bounds = array<i64: 2, 16>, scalar_prefetch = 0 : i64, scratch_operands = 4 : i64, tpu.core_type = #tpu.core_type<sc_vector_subcore>, window_params = [{transform_indices = #map}, {transform_indices = #map1}, {transform_indices = #map1}, {transform_indices = #map}, {transform_indices = #map1}]} {
    %mul3A = arith.constant 16 : i32
    %mul3A_0 = arith.muli %arg0, %mul3A : i32
    %add3A = arith.addi %mul3A_0, %arg1 : i32
    %mul3A_1 = arith.constant 640 : i32
    %mul3A_2 = arith.muli %arg1, %mul3A_1 : i32
    %mul3A_3 = arith.constant 640 : i32
    %mul3A_4 = arith.muli %arg1, %mul3A_3 : i32
    "tpu.region"() ({
      %run_scoped3A = tpu.sem_alloc : memref<!tpu.dma_semaphore, #tpu.memory_space<semaphore_mem>>
      %dma_start3A = arith.constant 0 : i32
      %dma_start3A_15 = tpu.memref_slice %arg10[%mul3A_4, %dma_start3A] : memref<10240x16xf32, #tpu.memory_space<vmem_shared>> -> memref<640x16xf32, #tpu.memory_space<vmem_shared>>
      %dma_start3A_16 = arith.constant 0 : i32
      %dma_start3A_17 = tpu.memref_slice %arg5[%mul3A_2, %dma_start3A_16] : memref<10240x16xf32, #tpu.memory_space<hbm>> -> memref<640x16xf32, #tpu.memory_space<hbm>>
      tpu.enqueue_dma source(%dma_start3A_17 : memref<640x16xf32, #tpu.memory_space<hbm>>) target(%dma_start3A_15 : memref<640x16xf32, #tpu.memory_space<vmem_shared>>) target_semaphore(%run_scoped3A : memref<!tpu.dma_semaphore, #tpu.memory_space<semaphore_mem>>)
      %dma_wait3A = arith.constant 0 : i32
      %dma_wait3A_18 = tpu.memref_slice %arg10[%mul3A_4, %dma_wait3A] : memref<10240x16xf32, #tpu.memory_space<vmem_shared>> -> memref<640x16xf32, #tpu.memory_space<vmem_shared>>
      %dma_wait3A_19 = arith.constant 0 : i32
      %dma_wait3A_20 = tpu.memref_slice %arg5[%mul3A_2, %dma_wait3A_19] : memref<10240x16xf32, #tpu.memory_space<hbm>> -> memref<640x16xf32, #tpu.memory_space<hbm>>
      tpu.wait_dma2 semaphore(%run_scoped3A : memref<!tpu.dma_semaphore, #tpu.memory_space<semaphore_mem>>) src(%dma_wait3A_20 : memref<640x16xf32, #tpu.memory_space<hbm>>) dst(%dma_wait3A_18 : memref<640x16xf32, #tpu.memory_space<vmem_shared>>)
      tpu.yield
    }) : () -> ()
    "tpu.region"() ({
      %run_scoped3A = tpu.sem_alloc : memref<!tpu.dma_semaphore, #tpu.memory_space<semaphore_mem>>
      %dma_start3A = arith.constant 0 : i32
      %dma_start3A_15 = arith.constant 0 : i32
      %dma_start3A_16 = tpu.memref_slice %arg3[%add3A, %dma_start3A, %dma_start3A_15] : memref<32x79x128xi32, #tpu.memory_space<hbm>> -> memref<1x79x128xi32, #tpu.memory_space<hbm>>
      %dma_start3A_17 = tpu.memref_squeeze %dma_start3A_16 : memref<1x79x128xi32, #tpu.memory_space<hbm>> -> memref<79x128xi32, #tpu.memory_space<hbm>>
      %dma_start3A_18 = arith.constant 0 : i32
      %dma_start3A_19 = arith.constant 0 : i32
      %dma_start3A_20 = tpu.memref_slice %arg3[%add3A, %dma_start3A_18, %dma_start3A_19] : memref<32x79x128xi32, #tpu.memory_space<hbm>> -> memref<1x79x128xi32, #tpu.memory_space<hbm>>
      %dma_start3A_21 = tpu.memref_squeeze %dma_start3A_20 : memref<1x79x128xi32, #tpu.memory_space<hbm>> -> memref<79x128xi32, #tpu.memory_space<hbm>>
      tpu.enqueue_dma source(%dma_start3A_21 : memref<79x128xi32, #tpu.memory_space<hbm>>) target(%arg7 : memref<79x128xi32, #tpu.memory_space<vmem>>) target_semaphore(%run_scoped3A : memref<!tpu.dma_semaphore, #tpu.memory_space<semaphore_mem>>)
      %dma_wait3A = arith.constant 0 : i32
      %dma_wait3A_22 = arith.constant 0 : i32
      %dma_wait3A_23 = tpu.memref_slice %arg3[%add3A, %dma_wait3A, %dma_wait3A_22] : memref<32x79x128xi32, #tpu.memory_space<hbm>> -> memref<1x79x128xi32, #tpu.memory_space<hbm>>
      %dma_wait3A_24 = tpu.memref_squeeze %dma_wait3A_23 : memref<1x79x128xi32, #tpu.memory_space<hbm>> -> memref<79x128xi32, #tpu.memory_space<hbm>>
      %dma_wait3A_25 = arith.constant 0 : i32
      %dma_wait3A_26 = arith.constant 0 : i32
      %dma_wait3A_27 = tpu.memref_slice %arg3[%add3A, %dma_wait3A_25, %dma_wait3A_26] : memref<32x79x128xi32, #tpu.memory_space<hbm>> -> memref<1x79x128xi32, #tpu.memory_space<hbm>>
      %dma_wait3A_28 = tpu.memref_squeeze %dma_wait3A_27 : memref<1x79x128xi32, #tpu.memory_space<hbm>> -> memref<79x128xi32, #tpu.memory_space<hbm>>
      tpu.wait_dma2 semaphore(%run_scoped3A : memref<!tpu.dma_semaphore, #tpu.memory_space<semaphore_mem>>) src(%dma_wait3A_28 : memref<79x128xi32, #tpu.memory_space<hbm>>) dst(%arg7 : memref<79x128xi32, #tpu.memory_space<vmem>>)
      tpu.yield
    }) : () -> ()
    "tpu.region"() ({
      %run_scoped3A = tpu.sem_alloc : memref<!tpu.dma_semaphore, #tpu.memory_space<semaphore_mem>>
      %dma_start3A = arith.constant 0 : i32
      %dma_start3A_15 = arith.constant 0 : i32
      %dma_start3A_16 = tpu.memref_slice %arg4[%add3A, %dma_start3A, %dma_start3A_15] : memref<32x79x128xi32, #tpu.memory_space<hbm>> -> memref<1x79x128xi32, #tpu.memory_space<hbm>>
      %dma_start3A_17 = tpu.memref_squeeze %dma_start3A_16 : memref<1x79x128xi32, #tpu.memory_space<hbm>> -> memref<79x128xi32, #tpu.memory_space<hbm>>
      %dma_start3A_18 = arith.constant 0 : i32
      %dma_start3A_19 = arith.constant 0 : i32
      %dma_start3A_20 = tpu.memref_slice %arg4[%add3A, %dma_start3A_18, %dma_start3A_19] : memref<32x79x128xi32, #tpu.memory_space<hbm>> -> memref<1x79x128xi32, #tpu.memory_space<hbm>>
      %dma_start3A_21 = tpu.memref_squeeze %dma_start3A_20 : memref<1x79x128xi32, #tpu.memory_space<hbm>> -> memref<79x128xi32, #tpu.memory_space<hbm>>
      tpu.enqueue_dma source(%dma_start3A_21 : memref<79x128xi32, #tpu.memory_space<hbm>>) target(%arg8 : memref<79x128xi32, #tpu.memory_space<vmem>>) target_semaphore(%run_scoped3A : memref<!tpu.dma_semaphore, #tpu.memory_space<semaphore_mem>>)
      %dma_wait3A = arith.constant 0 : i32
      %dma_wait3A_22 = arith.constant 0 : i32
      %dma_wait3A_23 = tpu.memref_slice %arg4[%add3A, %dma_wait3A, %dma_wait3A_22] : memref<32x79x128xi32, #tpu.memory_space<hbm>> -> memref<1x79x128xi32, #tpu.memory_space<hbm>>
      %dma_wait3A_24 = tpu.memref_squeeze %dma_wait3A_23 : memref<1x79x128xi32, #tpu.memory_space<hbm>> -> memref<79x128xi32, #tpu.memory_space<hbm>>
      %dma_wait3A_25 = arith.constant 0 : i32
      %dma_wait3A_26 = arith.constant 0 : i32
      %dma_wait3A_27 = tpu.memref_slice %arg4[%add3A, %dma_wait3A_25, %dma_wait3A_26] : memref<32x79x128xi32, #tpu.memory_space<hbm>> -> memref<1x79x128xi32, #tpu.memory_space<hbm>>
      %dma_wait3A_28 = tpu.memref_squeeze %dma_wait3A_27 : memref<1x79x128xi32, #tpu.memory_space<hbm>> -> memref<79x128xi32, #tpu.memory_space<hbm>>
      tpu.wait_dma2 semaphore(%run_scoped3A : memref<!tpu.dma_semaphore, #tpu.memory_space<semaphore_mem>>) src(%dma_wait3A_28 : memref<79x128xi32, #tpu.memory_space<hbm>>) dst(%arg8 : memref<79x128xi32, #tpu.memory_space<vmem>>)
      tpu.yield
    }) : () -> ()
    %barrier3A = arith.constant 0 : index
    tpu.barrier barrier_id(%barrier3A)
    %scan3A = arith.constant 0 : i32
    %scan3A_5 = arith.constant 0 : i32
    %scan3A_6 = arith.constant 79 : i32
    %scan3A_7 = arith.addi %scan3A_5, %scan3A_6 : i32
    %scan3A_8 = arith.constant 1 : i32
    scf.for %scan3A_15 = %scan3A_5 to %scan3A_7 step %scan3A_8  : i32 {
      "tpu.region"() ({
        %run_scoped3A = tpu.sem_alloc : memref<!tpu.dma_semaphore, #tpu.memory_space<semaphore_mem>>
        %dma_start3A = arith.constant 0 : i32
        %dma_start3A_16 = tpu.memref_slice %arg7[%scan3A_15, %dma_start3A] : memref<79x128xi32, #tpu.memory_space<vmem>> -> memref<1x128xi32, #tpu.memory_space<vmem>>
        %dma_start3A_17 = tpu.memref_squeeze %dma_start3A_16 : memref<1x128xi32, #tpu.memory_space<vmem>> -> memref<128xi32, #tpu.memory_space<vmem>>
        %dma_start3A_18 = arith.constant 0 : i32
        %dma_start3A_19 = arith.constant 0 : i32
        %dma_start3A_20 = tpu.memref_slice %arg2[%dma_start3A_18, %dma_start3A_19] : memref<10240x16xf32, #tpu.memory_space<hbm>> -> memref<10240x16xf32, #tpu.memory_space<hbm>>
        tpu.enqueue_indirect_dma source(%dma_start3A_20 : memref<10240x16xf32, #tpu.memory_space<hbm>>) target(%arg9 : memref<128x16xf32, #tpu.memory_space<vmem>>) offsets(%dma_start3A_17 : memref<128xi32, #tpu.memory_space<vmem>>) semaphore(%run_scoped3A : memref<!tpu.dma_semaphore, #tpu.memory_space<semaphore_mem>>)
        %dma_wait3A = arith.constant 0 : i32
        %dma_wait3A_21 = tpu.memref_slice %arg7[%scan3A_15, %dma_wait3A] : memref<79x128xi32, #tpu.memory_space<vmem>> -> memref<1x128xi32, #tpu.memory_space<vmem>>
        %dma_wait3A_22 = tpu.memref_squeeze %dma_wait3A_21 : memref<1x128xi32, #tpu.memory_space<vmem>> -> memref<128xi32, #tpu.memory_space<vmem>>
        %dma_wait3A_23 = arith.constant 0 : i32
        %dma_wait3A_24 = arith.constant 0 : i32
        %dma_wait3A_25 = tpu.memref_slice %arg2[%dma_wait3A_23, %dma_wait3A_24] : memref<10240x16xf32, #tpu.memory_space<hbm>> -> memref<10240x16xf32, #tpu.memory_space<hbm>>
        tpu.wait_indirect_dma semaphore(%run_scoped3A : memref<!tpu.dma_semaphore, #tpu.memory_space<semaphore_mem>>) src(%dma_wait3A_25 : memref<10240x16xf32, #tpu.memory_space<hbm>>) dst(%arg9 : memref<128x16xf32, #tpu.memory_space<vmem>>)
        tpu.yield
      }) : () -> ()
      "tpu.region"() ({
        %run_scoped3A = tpu.sem_alloc : memref<!tpu.dma_semaphore, #tpu.memory_space<semaphore_mem>>
        %dma_start3A = arith.constant 0 : i32
        %dma_start3A_16 = tpu.memref_slice %arg8[%scan3A_15, %dma_start3A] : memref<79x128xi32, #tpu.memory_space<vmem>> -> memref<1x128xi32, #tpu.memory_space<vmem>>
        %dma_start3A_17 = tpu.memref_squeeze %dma_start3A_16 : memref<1x128xi32, #tpu.memory_space<vmem>> -> memref<128xi32, #tpu.memory_space<vmem>>
        %dma_start3A_18 = arith.constant 0 : i32
        %dma_start3A_19 = arith.constant 0 : i32
        %dma_start3A_20 = tpu.memref_slice %arg10[%dma_start3A_18, %dma_start3A_19] : memref<10240x16xf32, #tpu.memory_space<vmem_shared>> -> memref<10240x16xf32, #tpu.memory_space<vmem_shared>>
        tpu.enqueue_indirect_dma source(%arg9 : memref<128x16xf32, #tpu.memory_space<vmem>>) target(%dma_start3A_20 : memref<10240x16xf32, #tpu.memory_space<vmem_shared>>) offsets(%dma_start3A_17 : memref<128xi32, #tpu.memory_space<vmem>>) semaphore(%run_scoped3A : memref<!tpu.dma_semaphore, #tpu.memory_space<semaphore_mem>>) {add = true}
        %dma_wait3A = arith.constant 0 : i32
        %dma_wait3A_21 = tpu.memref_slice %arg8[%scan3A_15, %dma_wait3A] : memref<79x128xi32, #tpu.memory_space<vmem>> -> memref<1x128xi32, #tpu.memory_space<vmem>>
        %dma_wait3A_22 = tpu.memref_squeeze %dma_wait3A_21 : memref<1x128xi32, #tpu.memory_space<vmem>> -> memref<128xi32, #tpu.memory_space<vmem>>
        %dma_wait3A_23 = arith.constant 0 : i32
        %dma_wait3A_24 = arith.constant 0 : i32
        %dma_wait3A_25 = tpu.memref_slice %arg10[%dma_wait3A_23, %dma_wait3A_24] : memref<10240x16xf32, #tpu.memory_space<vmem_shared>> -> memref<10240x16xf32, #tpu.memory_space<vmem_shared>>
        tpu.wait_indirect_dma semaphore(%run_scoped3A : memref<!tpu.dma_semaphore, #tpu.memory_space<semaphore_mem>>) src(%arg9 : memref<128x16xf32, #tpu.memory_space<vmem>>) dst(%dma_wait3A_25 : memref<10240x16xf32, #tpu.memory_space<vmem_shared>>)
        tpu.yield
      }) : () -> ()
    }
    %scan3A_9 = arith.constant 79 : i32
    %barrier3A_10 = arith.constant 0 : index
    tpu.barrier barrier_id(%barrier3A_10)
    %mul3A_11 = arith.constant 640 : i32
    %mul3A_12 = arith.muli %arg1, %mul3A_11 : i32
    %mul3A_13 = arith.constant 640 : i32
    %mul3A_14 = arith.muli %arg1, %mul3A_13 : i32
    "tpu.region"() ({
      %run_scoped3A = tpu.sem_alloc : memref<!tpu.dma_semaphore, #tpu.memory_space<semaphore_mem>>
      %dma_start3A = arith.constant 0 : i32
      %dma_start3A_15 = tpu.memref_slice %arg6[%arg0, %mul3A_14, %dma_start3A] : memref<2x10240x16xf32, #tpu.memory_space<hbm>> -> memref<1x640x16xf32, #tpu.memory_space<hbm>>
      %dma_start3A_16 = tpu.memref_squeeze %dma_start3A_15 : memref<1x640x16xf32, #tpu.memory_space<hbm>> -> memref<640x16xf32, #tpu.memory_space<hbm>>
      %dma_start3A_17 = arith.constant 0 : i32
      %dma_start3A_18 = tpu.memref_slice %arg10[%mul3A_12, %dma_start3A_17] : memref<10240x16xf32, #tpu.memory_space<vmem_shared>> -> memref<640x16xf32, #tpu.memory_space<vmem_shared>>
      tpu.enqueue_dma source(%dma_start3A_18 : memref<640x16xf32, #tpu.memory_space<vmem_shared>>) target(%dma_start3A_16 : memref<640x16xf32, #tpu.memory_space<hbm>>) target_semaphore(%run_scoped3A : memref<!tpu.dma_semaphore, #tpu.memory_space<semaphore_mem>>)
      %dma_wait3A = arith.constant 0 : i32
      %dma_wait3A_19 = tpu.memref_slice %arg6[%arg0, %mul3A_14, %dma_wait3A] : memref<2x10240x16xf32, #tpu.memory_space<hbm>> -> memref<1x640x16xf32, #tpu.memory_space<hbm>>
      %dma_wait3A_20 = tpu.memref_squeeze %dma_wait3A_19 : memref<1x640x16xf32, #tpu.memory_space<hbm>> -> memref<640x16xf32, #tpu.memory_space<hbm>>
      %dma_wait3A_21 = arith.constant 0 : i32
      %dma_wait3A_22 = tpu.memref_slice %arg10[%mul3A_12, %dma_wait3A_21] : memref<10240x16xf32, #tpu.memory_space<vmem_shared>> -> memref<640x16xf32, #tpu.memory_space<vmem_shared>>
      tpu.wait_dma2 semaphore(%run_scoped3A : memref<!tpu.dma_semaphore, #tpu.memory_space<semaphore_mem>>) src(%dma_wait3A_22 : memref<640x16xf32, #tpu.memory_space<vmem_shared>>) dst(%dma_wait3A_20 : memref<640x16xf32, #tpu.memory_space<hbm>>)
      tpu.yield
    }) : () -> ()
    return
  }
}

module attributes {stable_mosaic.version = 14 : i64} {
  func.func @_tc1_body(%arg0: memref<10240x128xf32, #tpu.memory_space<vmem>>, %arg1: memref<128x16xf32, #tpu.memory_space<vmem>>, %arg2: memref<2x10240xf32, #tpu.memory_space<vmem>>, %arg3: memref<10240x16xf32, #tpu.memory_space<vmem>>, %arg4: memref<10240x16xf32, #tpu.memory_space<vmem>>) attributes {dimension_semantics = [], scalar_prefetch = 0 : i64, scratch_operands = 0 : i64, tpu.core_type = #tpu.core_type<tc>} {
    %get3A = arith.constant 0 : index
    %get3A_0 = arith.constant 0 : index
    %get3A_1 = vector.load %arg2[%get3A, %get3A_0] : memref<2x10240xf32, #tpu.memory_space<vmem>>, vector<1x10240xf32>
    %get3A_2 = vector.shape_cast %get3A_1 : vector<1x10240xf32> to vector<10240xf32>
    %get3A_3 = arith.constant 1 : index
    %get3A_4 = arith.constant 0 : index
    %get3A_5 = vector.load %arg2[%get3A_3, %get3A_4] : memref<2x10240xf32, #tpu.memory_space<vmem>>, vector<1x10240xf32>
    %get3A_6 = vector.shape_cast %get3A_5 : vector<1x10240xf32> to vector<10240xf32>
    %add3A = arith.addf %get3A_2, %get3A_6 : vector<10240xf32>
    %add3A_7 = arith.constant 1.000000e+00 : f32
    %add3A_8 = vector.broadcast %add3A_7 : f32 to vector<10240xf32>
    %add3A_9 = arith.addf %add3A, %add3A_8 : vector<10240xf32>
    %rsqrt3A = math.rsqrt %add3A_9 : vector<10240xf32>
    %broadcast_in_dim3A = vector.shape_cast %rsqrt3A : vector<10240xf32> to vector<10240x1xf32>
    %broadcast_in_dim3A_10 = vector.shape_cast %broadcast_in_dim3A : vector<10240x1xf32> to vector<10240x1xf32>
    %broadcast_in_dim3A_11 = vector.broadcast %broadcast_in_dim3A_10 : vector<10240x1xf32> to vector<10240x16xf32>
    %get3A_12 = arith.constant 0 : index
    %get3A_13 = arith.constant 0 : index
    %get3A_14 = vector.load %arg0[%get3A_12, %get3A_13] : memref<10240x128xf32, #tpu.memory_space<vmem>>, vector<10240x128xf32>
    %get3A_15 = arith.constant 0 : index
    %get3A_16 = arith.constant 0 : index
    %get3A_17 = vector.load %arg1[%get3A_15, %get3A_16] : memref<128x16xf32, #tpu.memory_space<vmem>>, vector<128x16xf32>
    %dot_general3A = arith.constant dense<0.000000e+00> : vector<10240x16xf32>
    %dot_general3A_18 = tpu.matmul %get3A_14, %get3A_17, %dot_general3A {dimension_numbers = #tpu.dot_dimension_numbers<[1], [0], [0], [1], [0, 0, 1, 1], [], []>, transpose_lhs_hint = false} : vector<10240x128xf32>, vector<128x16xf32>, vector<10240x16xf32> -> vector<10240x16xf32>
    %mul3A = arith.mulf %dot_general3A_18, %broadcast_in_dim3A_11 : vector<10240x16xf32>
    %swap3A = arith.constant 0 : index
    %swap3A_19 = arith.constant 0 : index
    %swap3A_20 = vector.load %arg3[%swap3A, %swap3A_19] : memref<10240x16xf32, #tpu.memory_space<vmem>>, vector<10240x16xf32>
    tpu.vector_store %arg3[%swap3A, %swap3A_19], %mul3A {strides = array<i32>} : memref<10240x16xf32, #tpu.memory_space<vmem>>, vector<10240x16xf32>,
    %swap3A_21 = arith.constant 0 : index
    %swap3A_22 = arith.constant 0 : index
    %swap3A_23 = vector.load %arg4[%swap3A_21, %swap3A_22] : memref<10240x16xf32, #tpu.memory_space<vmem>>, vector<10240x16xf32>
    tpu.vector_store %arg4[%swap3A_21, %swap3A_22], %broadcast_in_dim3A_11 {strides = array<i32>} : memref<10240x16xf32, #tpu.memory_space<vmem>>, vector<10240x16xf32>,
    return
  }
}

module attributes {stable_mosaic.version = 14 : i64} {
  func.func @_tc2_body(%arg0: memref<2x10240x16xf32, #tpu.memory_space<vmem>>, %arg1: memref<10240x16xf32, #tpu.memory_space<vmem>>, %arg2: memref<10240x16xf32, #tpu.memory_space<vmem>>, %arg3: memref<16xf32, #tpu.memory_space<vmem>>, %arg4: memref<10240x16xf32, #tpu.memory_space<vmem>>) attributes {dimension_semantics = [], scalar_prefetch = 0 : i64, scratch_operands = 0 : i64, tpu.core_type = #tpu.core_type<tc>} {
    %get3A = arith.constant 0 : index
    %get3A_0 = arith.constant 0 : index
    %get3A_1 = arith.constant 0 : index
    %get3A_2 = vector.load %arg0[%get3A, %get3A_0, %get3A_1] : memref<2x10240x16xf32, #tpu.memory_space<vmem>>, vector<1x10240x16xf32>
    %get3A_3 = vector.shape_cast %get3A_2 : vector<1x10240x16xf32> to vector<10240x16xf32>
    %get3A_4 = arith.constant 1 : index
    %get3A_5 = arith.constant 0 : index
    %get3A_6 = arith.constant 0 : index
    %get3A_7 = vector.load %arg0[%get3A_4, %get3A_5, %get3A_6] : memref<2x10240x16xf32, #tpu.memory_space<vmem>>, vector<1x10240x16xf32>
    %get3A_8 = vector.shape_cast %get3A_7 : vector<1x10240x16xf32> to vector<10240x16xf32>
    %add3A = arith.addf %get3A_3, %get3A_8 : vector<10240x16xf32>
    %get3A_9 = arith.constant 0 : index
    %get3A_10 = arith.constant 0 : index
    %get3A_11 = vector.load %arg1[%get3A_9, %get3A_10] : memref<10240x16xf32, #tpu.memory_space<vmem>>, vector<10240x16xf32>
    %add3A_12 = arith.addf %add3A, %get3A_11 : vector<10240x16xf32>
    %get3A_13 = arith.constant 0 : index
    %get3A_14 = arith.constant 0 : index
    %get3A_15 = vector.load %arg2[%get3A_13, %get3A_14] : memref<10240x16xf32, #tpu.memory_space<vmem>>, vector<10240x16xf32>
    %mul3A = arith.mulf %add3A_12, %get3A_15 : vector<10240x16xf32>
    %get3A_16 = arith.constant 0 : index
    %get3A_17 = vector.load %arg3[%get3A_16] : memref<16xf32, #tpu.memory_space<vmem>>, vector<16xf32>
    %broadcast_in_dim3A = vector.shape_cast %get3A_17 : vector<16xf32> to vector<1x16xf32>
    %add3A_18 = vector.broadcast %broadcast_in_dim3A : vector<1x16xf32> to vector<10240x16xf32>
    %add3A_19 = arith.addf %mul3A, %add3A_18 : vector<10240x16xf32>
    %max3A = arith.constant 0.000000e+00 : f32
    %max3A_20 = vector.broadcast %max3A : f32 to vector<10240x16xf32>
    %max3A_21 = arith.maximumf %add3A_19, %max3A_20 : vector<10240x16xf32>
    %get3A_22 = arith.constant 0 : index
    %get3A_23 = arith.constant 0 : index
    %get3A_24 = vector.load %arg2[%get3A_22, %get3A_23] : memref<10240x16xf32, #tpu.memory_space<vmem>>, vector<10240x16xf32>
    %mul3A_25 = arith.mulf %max3A_21, %get3A_24 : vector<10240x16xf32>
    %swap3A = arith.constant 0 : index
    %swap3A_26 = arith.constant 0 : index
    %swap3A_27 = vector.load %arg4[%swap3A, %swap3A_26] : memref<10240x16xf32, #tpu.memory_space<vmem>>, vector<10240x16xf32>
    tpu.vector_store %arg4[%swap3A, %swap3A_26], %mul3A_25 {strides = array<i32>} : memref<10240x16xf32, #tpu.memory_space<vmem>>, vector<10240x16xf32>,
    return
  }
}

module attributes {stable_mosaic.version = 14 : i64} {
  func.func @_tc3_body(%arg0: memref<2x10240x16xf32, #tpu.memory_space<vmem>>, %arg1: memref<10240x16xf32, #tpu.memory_space<vmem>>, %arg2: memref<10240x16xf32, #tpu.memory_space<vmem>>, %arg3: memref<16x64xf32, #tpu.memory_space<vmem>>, %arg4: memref<64xf32, #tpu.memory_space<vmem>>, %arg5: memref<10240x64xf32, #tpu.memory_space<vmem>>) attributes {dimension_semantics = [], scalar_prefetch = 0 : i64, scratch_operands = 0 : i64, tpu.core_type = #tpu.core_type<tc>} {
    %get3A = arith.constant 0 : index
    %get3A_0 = arith.constant 0 : index
    %get3A_1 = arith.constant 0 : index
    %get3A_2 = vector.load %arg0[%get3A, %get3A_0, %get3A_1] : memref<2x10240x16xf32, #tpu.memory_space<vmem>>, vector<1x10240x16xf32>
    %get3A_3 = vector.shape_cast %get3A_2 : vector<1x10240x16xf32> to vector<10240x16xf32>
    %get3A_4 = arith.constant 1 : index
    %get3A_5 = arith.constant 0 : index
    %get3A_6 = arith.constant 0 : index
    %get3A_7 = vector.load %arg0[%get3A_4, %get3A_5, %get3A_6] : memref<2x10240x16xf32, #tpu.memory_space<vmem>>, vector<1x10240x16xf32>
    %get3A_8 = vector.shape_cast %get3A_7 : vector<1x10240x16xf32> to vector<10240x16xf32>
    %add3A = arith.addf %get3A_3, %get3A_8 : vector<10240x16xf32>
    %get3A_9 = arith.constant 0 : index
    %get3A_10 = arith.constant 0 : index
    %get3A_11 = vector.load %arg1[%get3A_9, %get3A_10] : memref<10240x16xf32, #tpu.memory_space<vmem>>, vector<10240x16xf32>
    %add3A_12 = arith.addf %add3A, %get3A_11 : vector<10240x16xf32>
    %get3A_13 = arith.constant 0 : index
    %get3A_14 = arith.constant 0 : index
    %get3A_15 = vector.load %arg2[%get3A_13, %get3A_14] : memref<10240x16xf32, #tpu.memory_space<vmem>>, vector<10240x16xf32>
    %mul3A = arith.mulf %add3A_12, %get3A_15 : vector<10240x16xf32>
    %get3A_16 = arith.constant 0 : index
    %get3A_17 = arith.constant 0 : index
    %get3A_18 = vector.load %arg3[%get3A_16, %get3A_17] : memref<16x64xf32, #tpu.memory_space<vmem>>, vector<16x64xf32>
    %dot_general3A = arith.constant dense<0.000000e+00> : vector<10240x64xf32>
    %dot_general3A_19 = tpu.matmul %mul3A, %get3A_18, %dot_general3A {dimension_numbers = #tpu.dot_dimension_numbers<[1], [0], [0], [1], [0, 0, 1, 1], [], []>, transpose_lhs_hint = false} : vector<10240x16xf32>, vector<16x64xf32>, vector<10240x64xf32> -> vector<10240x64xf32>
    %get3A_20 = arith.constant 0 : index
    %get3A_21 = vector.load %arg4[%get3A_20] : memref<64xf32, #tpu.memory_space<vmem>>, vector<64xf32>
    %broadcast_in_dim3A = vector.shape_cast %get3A_21 : vector<64xf32> to vector<1x64xf32>
    %add3A_22 = vector.broadcast %broadcast_in_dim3A : vector<1x64xf32> to vector<10240x64xf32>
    %add3A_23 = arith.addf %dot_general3A_19, %add3A_22 : vector<10240x64xf32>
    %swap3A = arith.constant 0 : index
    %swap3A_24 = arith.constant 0 : index
    %swap3A_25 = vector.load %arg5[%swap3A, %swap3A_24] : memref<10240x64xf32, #tpu.memory_space<vmem>>, vector<10240x64xf32>
    tpu.vector_store %arg5[%swap3A, %swap3A_24], %add3A_23 {strides = array<i32>} : memref<10240x64xf32, #tpu.memory_space<vmem>>, vector<10240x64xf32>,
    return
  }
}

</mosaic_0001>

<sc_bundles>
// kernel: kernel.11.cloned.1.call-start
scs
__scs_entry_jumppad:
0x0: {  	(pc) =	sbr.rel $0x88, $3  }
0x1: {  	(tag) =	ssettag $0x0;
	lr =	simm.s32 $0x1  }
0x2: {  	[smem:$0x3F9B] =	sst lr;
	_ =	strace $0xD0000000  }
0x3: {  	_ = 	snop  }
0x4: {  	_ = 	snop  }
0x5: {  	_ = 	snop  }
0x6: {  	_ = 	snop  }
0x7: {  	_ = 	snop  }
__scs_overlays_trampoline_lowered:
0x8: {  	[smem:$0x3FAA] =	sst s0  }
0x9: {  	[smem:$0x3FAB] =	sst s1  }
0xa: {  	[smem:$0x3FAC] =	sst s2  }
0xb: {  	[smem:$0x3FAD] =	sst s3  }
0xc: {  	[smem:$0x3FAE] =	sst s4  }
0xd: {  	[smem:$0x3FAF] =	sst s5  }
0xe: {  	[smem:$0x3FB0] =	sst s6  }
0xf: {  	[smem:$0x3FB1] =	sst s7  }
0x10: {  	[smem:$0x3FB2] =	sst s8  }
0x11: {  	[smem:$0x3FB3] =	sst s9;
	s0 =	simm.s32 @!p0 $0x0  }
0x12: {  	s1 =	sld [smem:$0x3F99];
	s0 =	simm.s32 @p0 $0x1  }
0x13: {  	[smem:$0x3FB4] =	sst s0;
	s0 =	simm.s32 @!p1 $0x0  }
0x14: {  	s2 =	sld [smem:$0x3F98];
	s0 =	simm.s32 @p1 $0x1  }
0x15: {  	[smem:$0x3FB5] =	sst s0;
	s0 =	simm.s32 @!p2 $0x0  }
0x16: {  	s3 =	sld [smem:$0x3FDB];
	s0 =	simm.s32 @p2 $0x1  }
0x17: {  	s4 =	simm.s32 $0x1BF5;
	[smem:$0x3FB7] =	sst s0  }
0x18: {  	s0 =	sld [smem:$0x3F9A];
	_ =	swait.ge [sflag:s4], $0x0  }
0x19: {  	s7 =	sld [smem:$0x3F9B]  }
0x1a: {  	s8 =	sadd.s32 $0xFFFFE003, lr  }
0x1b: {  	s9 =	sadd.s32 $0xFFFFFEF7, lr;
	s5 =	simm.s32 $0xFFFFFFFF;
	p2 =	slt.u32 s8, $0xFFFFF086  }
0x1c: {  	p1 =	slt.u32 s9, $0xF7A;
	s5 =	simm.s32 @!p2 $0x0  }
0x1d: {  	s5 =	simm.s32 @p1 $0x1;
	p0 =	seq.s32 s7, s2  }
0x1e: {  	s7 =	smul.u32 @!p0 $0xF7A, s2;
	p2 =	seq.s32 @!p0 s5, $0x0  }
0x1f: {  	s9 =	smul.u32 $0xF7A, s1;
	s8 =	simm.s32 @!p0 $0x1BF5;
	p2 =	por !p2, p0  }
0x20: {  	[sflag:s8] =	ssyncset.s32 @!p0 $0xFFFFF086;
	s6 =	sadd.s32 @!p0 s3, s7;
	s7 =	simm.s32 @!p0 $0x108  }
0x21: {  	s3 =	sadd.s32 s3, s9;
	s6 =	sadd.s32 @!p0 $0x88, s6;
	s7 =	simm.s32 @p2 $0x1082  }
0x22: {  	[simem:s7], [sflag:s8] =	dma.local @!p0 [hbm:s6], $0xF7A  }
0x23: {  	s9 =	sor.u32 $0xD0000000, s2;
	s6 =	simm.s32 $0x108;
	_ =	swait.ge @!p0 [sflag:s8], $0x0  }
0x24: {  	s3 =	sadd.s32 $0x88, s3;
	s6 =	simm.s32 @!p1 $0x1082;
	[sflag:s4] =	ssyncset.s32 $0xFFFFF086  }
0x25: {  	[simem:s6], [sflag:s4] =	dma.local [hbm:s3], $0xF7A  }
0x26: {  	[smem:$0x3F9B] =	sst s1;
	(tag) =	ssettag s2;
	_ =	strace s9  }
0x27: {  	s1 =	sld [smem:$0x3FAB]  }
0x28: {  	s2 =	sld [smem:$0x3FAC]  }
0x29: {  	s4 =	sld [smem:$0x3FAE]  }
0x2a: {  	p0 =	seq.s32 s5, $0x0;
	s5 =	sld [smem:$0x3FAF]  }
0x2b: {  	s6 =	sld [smem:$0x3FB0]  }
0x2c: {  	s7 =	sld [smem:$0x3FB1]  }
0x2d: {  	s3 =	simm.s32 $0x108;
	s8 =	sld [smem:$0x3FB2]  }
0x2e: {  	s3 =	simm.s32 @!p0 $0x1082;
	s9 =	sld [smem:$0x3FB3]  }
0x2f: {  	lr =	sadd.s32 s0, s3;
	s0 =	sld [smem:$0x3FAA]  }
0x30: {  	s3 =	sld [smem:$0x3FAD]  }
0x31: {  	[smem:$0x3FB6] =	sst s10  }
0x32: {  	s10 =	sld [smem:$0x3FB4];
	_ =	sdelay $0x3  }
0x33: {  	p0 =	seq.s32 s10, $0x1;
	s10 =	sld [smem:$0x3FB6];
	_ =	sdelay $0x3  }
0x34: {  	[smem:$0x3FB6] =	sst s10  }
0x35: {  	s10 =	sld [smem:$0x3FB5];
	_ =	sdelay $0x3  }
0x36: {  	p1 =	seq.s32 s10, $0x1;
	s10 =	sld [smem:$0x3FB6];
	_ =	sdelay $0x3  }
0x37: {  	[smem:$0x3FB6] =	sst s10  }
0x38: {  	s10 =	sld [smem:$0x3FB7]  }
0x39: {  	_ = 	snop;
	(pc) =	sbr.ind lr, $3  }
0x3a: {  	_ = 	snop  }
0x3b: {  	_ = 	snop  }
0x3c: {  	p2 =	seq.s32 s10, $0x1;
	s10 =	sld [smem:$0x3FB6]  }
0x3d: {  	_ =	shalt  }
0x3e: {  	_ =	shalt  }
0x3f: {  	_ =	shalt  }
0x40: {  	_ =	shalt  }
0x41: {  	_ =	shalt  }
0x42: {  	_ =	shalt  }
0x43: {  	_ =	shalt  }
0x44: {  	_ =	shalt  }
0x45: {  	_ =	shalt  }
0x46: {  	_ =	shalt  }
0x47: {  	_ =	shalt  }
0x48: {  	_ =	shalt  }
0x49: {  	_ =	shalt  }
0x4a: {  	_ =	shalt  }
0x4b: {  	_ =	shalt  }
0x4c: {  	_ =	shalt  }
0x4d: {  	_ =	shalt  }
0x4e: {  	_ =	shalt  }
0x4f: {  	_ =	shalt  }
0x50: {  	_ =	shalt  }
0x51: {  	_ =	shalt  }
0x52: {  	_ =	shalt  }
0x53: {  	_ =	shalt  }
0x54: {  	_ =	shalt  }
0x55: {  	_ =	shalt  }
0x56: {  	_ =	shalt  }
0x57: {  	_ =	shalt  }
0x58: {  	_ =	shalt  }
0x59: {  	_ =	shalt  }
0x5a: {  	_ =	shalt  }
0x5b: {  	_ =	shalt  }
0x5c: {  	_ =	shalt  }
0x5d: {  	_ =	shalt  }
0x5e: {  	_ =	shalt  }
0x5f: {  	_ =	shalt  }
0x60: {  	_ =	shalt  }
0x61: {  	_ =	shalt  }
0x62: {  	_ =	shalt  }
0x63: {  	_ =	shalt  }
0x64: {  	_ =	shalt  }
0x65: {  	_ =	shalt  }
0x66: {  	_ =	shalt  }
0x67: {  	_ =	shalt  }
0x68: {  	_ =	shalt  }
0x69: {  	_ =	shalt  }
0x6a: {  	_ =	shalt  }
0x6b: {  	_ =	shalt  }
0x6c: {  	_ =	shalt  }
0x6d: {  	_ =	shalt  }
0x6e: {  	_ =	shalt  }
0x6f: {  	_ =	shalt  }
0x70: {  	_ =	shalt  }
0x71: {  	_ =	shalt  }
0x72: {  	_ =	shalt  }
0x73: {  	_ =	shalt  }
0x74: {  	_ =	shalt  }
0x75: {  	_ =	shalt  }
0x76: {  	_ =	shalt  }
0x77: {  	_ =	shalt  }
0x78: {  	_ =	shalt  }
0x79: {  	_ =	shalt  }
0x7a: {  	_ =	shalt  }
0x7b: {  	_ =	shalt  }
0x7c: {  	_ =	shalt  }
0x7d: {  	_ =	shalt  }
0x7e: {  	_ =	shalt  }
0x7f: {  	_ =	shalt  }
0x80: {  	_ =	shalt  }
0x81: {  	_ =	shalt  }
0x82: {  	_ =	shalt  }
0x83: {  	_ =	shalt  }
0x84: {  	_ =	shalt  }
0x85: {  	_ =	shalt  }
0x86: {  	_ =	shalt  }
0x87: {  	_ =	shalt  }
.Lfunc_end0:
.L_simem_size_0:
called_computation.1_lowered:
.L_overlay_start_0:
0x88: {  	s2 =	sld [smem:$0x3FD9]  }
0x89: {  	s3 =	sld [smem:$0x3FFE];
	_ =	sdelay $0x1  }
0x8a: {  	s1 =	srdreg.scid  }
0x8b: {  	s0 =	sand.u32 $0x1, s1  }
0x8c: {  	s17 =	sshll.u32 s0, $0xA;
	s2 =	sadd.s32 s3, s2  }
0x8d: {  	s2 =	sadd.s32 s2, s17  }
0x8e: {  	[smem:$0x3FC2] =	sst s2  }
0x8f: {  	_ = 	snop  }
0x90: {  	s2 =	sld [smem:$0x3FD0];
	(tm) =	ssettm $0x1  }
0x91: {  	s18 =	sld [smem:$0x3FFB];
	_ =	sdelay $0x3  }
0x92: {  	_ =	strace s18  }
0x93: {  	s3 =	sld [smem:$0x3FFC];
	_ =	sdelay $0x3  }
0x94: {  	_ =	strace s3  }
0x95: {  	s3 =	sld [smem:$0x3FFD];
	_ =	sdelay $0x3  }
0x96: {  	_ =	strace s3  }
0x97: {  	_ =	strace $0x8FFFFFFF  }
0x98: {  	s19 =	sld [smem:$0x3FDB];
	_ =	sdelay $0x1  }
0x99: {  	s4 =	simm.s32 $_scs_section_size  }
0x9a: {  	s5 =	simm.s32 $_size__tile_overlayer_lowered;
	s6 =	simm.s32 $_tile_overlayer_lowered  }
0x9b: {  	s22 =	simm.s32 $0x1BFF;
	s21 =	sshll.u32 s6, $0x1;
	s3 =	sadd.s32 s4, s19  }
0x9c: {  	s7 =	simm.s32 $0x0;
	s20 =	sshll.u32 s5, $0x1;
	s5 =	sadd.s32 s21, s3  }
0x9d: {  	[timem:s7], [sflag:s22] =	dma.local [hbm:s5], s20  }
0x9e: {  	_ =	swait.ge [sflag:s22], s20  }
0x9f: {  	s4 =	ssub.s32 $0x0, s20;
	[sflag:s22] =	ssyncset.done $0x0  }
0xa0: {  	[sflag:s22] =	ssyncadd.s32 s4;
	_ =	sdelay $0x1  }
0xa1: {  	s23 =	simm.s32 $0x1B8B  }
0xa2: {  	_ =	swait.ge [sflag:s23], $0x1  }
0xa3: {  	[sflag:s23] =	ssyncset.done $0x0  }
0xa4: {  	s25 =	simm.s32 $0x1B8E;
	s24 =	sld [smem:$0x3FFE];
	[sflag:s23] =	ssyncadd.s32 $0xFFFFFFFF  }
0xa5: {  	s26 =	simm.s32 $execute0_lowered;
	[smem:$0x3FD2] =	sst s25  }
0xa6: {  	s5 =	sshll.u32 s26, $0x1;
	_ =	strace $0x80000049;
	[dreg:$0x1] =	wrdreg $0xFFFFFFFF  }
0xa7: {  	s28 =	simm.s32 $_size_execute0_lowered;
	s3 =	sadd.s32 s3, s5;
	[dreg:$0x0] =	wrdreg $0x0  }
0xa8: {  	s5 =	sshll.u32 s28, $0x1;
	[dreg:$0x2] =	wrdreg s3  }
0xa9: {  	[dreg:$0x3] =	wrdreg s5  }
0xaa: {  	[dreg:$0x4] =	wrdreg $0xC0  }
0xab: {  	_ =	task [dreg:s7], $0x5FFFF  }
0xac: {  	[dreg:$0x1] =	wrdreg $0xFFFFFFFF  }
0xad: {  	[dreg:$0x0] =	wrdreg $0x60  }
0xae: {  	[dreg:$0x2] =	wrdreg s24  }
0xaf: {  	[dreg:$0x3] =	wrdreg s2  }
0xb0: {  	[dreg:$0x4] =	wrdreg $0x57000  }
0xb1: {  	[dreg:$0x5] =	wrdreg $0x9  }
0xb2: {  	_ =	task.clear_ibuf [dreg:s7], $0x6FFFF;
	_ =	strace $0x90000049  }
0xb3: {  	s29 =	simm.s32 $0x9;
	_ =	strace $0x8000004B  }
0xb4: {  	_ =	swait.ge [sflag:s29], $0x1  }
0xb5: {  	[sflag:s29] =	ssyncadd.s32 $0xFFFFFFFF  }
0xb6: {  	_ =	strace $0x9000004B  }
0xb7: {  	_ =	sfence  }
0xb8: {  	s30 =	sld [smem:$0x0];
	_ =	sdelay $0x2  }
0xb9: {  	s31 =	sshll.u32 s1, $0xD;
	s1 =	sshrl.u32 s1, $0x2  }
0xba: {  	s3 =	sand.u32 $0x4000, s31;
	s1 =	sadd.s32 s1, s30  }
0xbb: {  	s0 =	sor.u32 s3, s0;
	s1 =	sshll.u32 s1, $0x11  }
0xbc: {  	s0 =	sor.u32 s1, s0  }
0xbd: {  	s0 =	sadd.s32 $0x8F2B, s0  }
0xbe: {  	[sflag:s0] =	ssyncadd.remote.s32 $0x1  }
0xbf: {  	_ =	sfence.sel $0xFFFF  }
0xc0: {  	[dreg:$0x0] =	wrdreg $0xFFFFFFFF;
	(pc) =	sbr.abs _section_cstart, $3  }
0xc1: {  	[dreg:$0x1] =	wrdreg $0xFFFFFFFF  }
0xc2: {  	_ =	task.clear_ibuf [dreg:s7], $0x2FFFF;
	_ =	strace $0x9FFFFFFF  }
0xc3: {  	(tm) =	ssettm $0x7FFFFFFF  }
tec
execute0_lowered:
.L_overlay_start_1:
0x0: {  	(tag) =	ssettag $0x1  }
0x1: {  	s5 =	rddreg [dreg:$0x0]  }
0x2: {  	s0 =	srdreg.scid;
	s9 =	rddreg [dreg:$0x1]  }
0x3: {  	s2 =	rddreg [dreg:$0x2];
	s1 =	stileid.u32  }
0x4: {  	s3 =	simm.s32 $0x0;
	s14 =	simm.s32 $0x80;
	s15 =	simm.s32 $0x4F00  }
0x5: {  	s16 =	simm.s32 $0x0;
	s6 =	sand.u32 $0x1, s0;
	s0 =	rddreg [dreg:$0x3]  }
0x6: {  	[smem:$0x7FF] =	sst s3;
	s8 =	smul.u32 $0x2800, s1;
	s31 =	sshll.u32 s1, $0x6  }
0x7: {  	s4 =	sshll.u32 s6, $0x4;
	_ =	strace $0x8000004A;
	s28 =	ssub.s32 $0x2, s6  }
0x8: {  	s6 =	smul.u32 $0x28000, s6;
	s4 =	sor.u32 s1, s4;
	s11 =	sshrl.u32 s8, $0x3  }
0x9: {  	s12 =	sshrl.u32 s28, $0x1;
	s30 =	sadd.s32 s8, s2;
	s7 =	smul.u32 $0x4F0, s4  }
0xa: {  	s4 =	sadd.s32 $0x15800, s5;
	s29 =	ssub.s32 s28, s12;
	s8 =	sadd.s32 s8, s6  }
0xb: {  	s6 =	sor.u32 $0x1C01, s31;
	s12 =	simm.s32 $0x1;
	s13 =	sshrl.u32 s8, $0x3  }
0xc: {  	s10 =	sadd.s32 s7, s5;
	s5 =	sadd.s32 s11, s5;
	s9 =	sadd.s32 s9, s13  }
0xd: {  	s11 =	sshrl.u32 s30, $0x3;
	s13 =	simm.s32 $0x2780;
	s5 =	sadd.s32 $0x1A800, s5  }
0xe: {  	s7 =	sadd.s32 $0xBA00, s10;
	s8 =	sadd.s32 $0x1600, s10;
	s10 =	smax.u32 s29, $0x1  }
.LBB2_1:
0xf: {  	[spmem:s11], [sflag:s6] =	dma.local [hbm:s5], $0x500  }
0x10: {  	_ =	swait.ge [sflag:s12], $0x500  }
0x11: {  	[sflag:s12] =	ssyncset.done $0x0  }
0x12: {  	[sflag:s12] =	ssyncadd.s32 $0xFFFFFB00  }
0x13: {  	[tilespmem:s3], [sflag:$0x1] =	stream.linear.gather [hbm4b:s7+s3], $0x2780, $0x38;
	[tilespmem:$0x7F00] =	vst v63  }
0x14: {  	_ =	swait.ge [sflag:s12], $0x2780  }
0x15: {  	[sflag:s12] =	ssyncset.done $0x0  }
0x16: {  	[sflag:s12] =	ssyncadd.s32 $0xFFFFD880  }
0x17: {  	[tilespmem:s13], [sflag:$0x1] =	stream.linear.gather [hbm4b:s8+s3], $0x2780, $0x38;
	[tilespmem:$0x7F00] =	vst v63  }
0x18: {  	_ =	swait.ge [sflag:s12], $0x2780  }
0x19: {  	[sflag:s12] =	ssyncset.done $0x0  }
0x1a: {  	[sflag:s12] =	ssyncadd.s32 $0xFFFFD880  }
0x1b: {  	s17 =	simm.s32 $0x0;
	[bflag:$0x0] =	sbarrier.arrive $0xFFFF  }
0x1c: {  	[tilespmem:s15], [sflag:$0x1] =	stream.indirect.gather [hbm4b:s4+s14], $0x10, s17, s14, $0xb8;
	[tilespmem:$0x7F00] =	vst v63  }
0x1d: {  	_ =	swait.ge [sflag:s12], $0x800  }
0x1e: {  	[sflag:s12] =	ssyncset.done $0x0  }
0x1f: {  	s31 =	simm.s32 $0x2780;
	[sflag:s12] =	ssyncadd.s32 $0xFFFFF800  }
0x20: {  	[spmem:s2] =	stream.indirect.scatter.add.f32 [tilespmem:s15], [sflag:$0x1], $0x10, s31, s14, $0xb8;
	[tilespmem:$0x7F00] =	vst v63  }
0x21: {  	_ =	swait.ge [sflag:s12], $0x800  }
0x22: {  	s18 =	simm.s32 $0x400;
	s17 =	simm.s32 $0x200;
	[sflag:s12] =	ssyncset.done $0x0  }
.LBB2_2:
0x23: {  	s19 =	sshra.s32 s17, $0x2  }
0x24: {  	[sflag:s12] =	ssyncadd.s32 $0xFFFFF800;
	s17 =	smov.u32 s18;
	s20 =	sadd.s32 $0x200, s18  }
0x25: {  	[tilespmem:s15], [sflag:$0x1] =	stream.indirect.gather [hbm4b:s4+s14], $0x10, s19, s14, $0xb8;
	[tilespmem:$0x7F00] =	vst v63  }
0x26: {  	p0 =	sne.s32 s18, $0x9C00;
	_ =	swait.ge [sflag:s12], $0x800  }
.Ltmp0:
0x27: {  	[sflag:s12] =	ssyncset.done $0x0;
	(pc) =	sbr.rel @p0 .LBB2_2-.Ltmp0, $4  }
0x28: {  	s18 =	sadd.s32 $0x2780, s19;
	[sflag:s12] =	ssyncadd.s32 $0xFFFFF800  }
0x29: {  	[spmem:s2] =	stream.indirect.scatter.add.f32 [tilespmem:s15], [sflag:$0x1], $0x10, s18, s14, $0xb8;
	[tilespmem:$0x7F00] =	vst v63  }
0x2a: {  	_ =	swait.ge [sflag:s12], $0x800  }
0x2b: {  	s18 =	smov.u32 s20;
	[sflag:s12] =	ssyncset.done $0x0  }
0x2c: {  	s17 =	sshra.s32 s17, $0x2;
	[sflag:s12] =	ssyncadd.s32 $0xFFFFF800  }
0x2d: {  	[tilespmem:s15], [sflag:$0x1] =	stream.indirect.gather [hbm4b:s4+s14], $0x10, s17, s14, $0xb8;
	[tilespmem:$0x7F00] =	vst v63  }
0x2e: {  	_ =	swait.ge [sflag:s12], $0x800  }
0x2f: {  	[sflag:s12] =	ssyncset.done $0x0  }
0x30: {  	s17 =	sadd.s32 $0x2780, s17;
	[sflag:s12] =	ssyncadd.s32 $0xFFFFF800  }
0x31: {  	[spmem:s2] =	stream.indirect.scatter.add.f32 [tilespmem:s15], [sflag:$0x1], $0x10, s17, s14, $0xb8;
	[tilespmem:$0x7F00] =	vst v63  }
0x32: {  	_ =	swait.ge [sflag:s12], $0x800  }
0x33: {  	s16 =	sadd.s32 $0x1, s16;
	[sflag:s12] =	ssyncset.done $0x0  }
0x34: {  	p0 =	sne.s32 s16, s10;
	[sflag:s12] =	ssyncadd.s32 $0xFFFFF800  }
.Ltmp1:
0x35: {  	[bflag:$0x0] =	sbarrier.arrive $0xFFFF;
	(pc) =	sbr.rel @p0 .LBB2_1-.Ltmp1, $4  }
0x36: {  	[hbm:s9], [sflag:s6] =	dma.local [spmem:s11], $0x500  }
0x37: {  	_ =	swait.ge [sflag:s12], $0x500  }
0x38: {  	[sflag:s12] =	ssyncset.done $0x0  }
0x39: {  	[sflag:s12] =	ssyncadd.s32 $0xFFFFFB00  }
0x3a: {  	_ =	sfence.sel $0x180000  }
0x3b: {  	[bflag:$0x0] =	sbarrier.arrive $0xFFFF  }
0x3c: {  	p0 =	sne.s32 s1, $0x0;
	_ =	strace $0x9000004A  }
0x3d: {  	s0 =	sadd.s32 @!p0 $0x100000, s0;
	[bflag:$0x2] =	sbarrier.arrive $0xFFFF  }
0x3e: {  	[sflag:s0] =	ssyncadd.tile.s32 @!p0 $0x1;
	_ =	shalt  }
.Lfunc_end2:
_tile_overlayer_lowered:
.L_overlay_start_2:
0x3f: {  	(tag) =	ssettag $0x2  }
0x40: {  	s0 =	rddreg [dreg:$0x0];
	s2 =	stileid.u32  }
0x41: {  	s1 =	rddreg [dreg:$0x1];
	p0 =	sne.s32 s2, $0x0  }
0x42: {  	s3 =	rddreg [dreg:$0x2];
	[bflag:$0x3] =	sbarrier.arrive $0xFFFF;
	s2 =	simm.s32 @!p0 $0x1C01  }
0x43: {  	[timem:s3], [sflag:s2] =	dma.local @!p0 [hbm:s0], s1  }
0x44: {  	s0 =	simm.s32 @!p0 $0x1  }
0x45: {  	_ =	swait.ge @!p0 [sflag:s0], s1  }
0x46: {  	s1 =	ssub.s32 @!p0 $0x0, s1;
	[sflag:s0] =	ssyncset.done @!p0 $0x0  }
0x47: {  	[sflag:s0] =	ssyncadd.s32 @!p0 s1  }
0x48: {  	[bflag:$0x3] =	sbarrier.arrive $0xFFFF  }
0x49: {  	_ =	shalt  }

// kernel: kernel.14.cloned.1.call-start
scs
__scs_entry_jumppad:
0x0: {  	(pc) =	sbr.rel $0x88, $3  }
0x1: {  	(tag) =	ssettag $0x0;
	lr =	simm.s32 $0x1  }
0x2: {  	[smem:$0x3F9B] =	sst lr;
	_ =	strace $0xD0000000  }
0x3: {  	_ = 	snop  }
0x4: {  	_ = 	snop  }
0x5: {  	_ = 	snop  }
0x6: {  	_ = 	snop  }
0x7: {  	_ = 	snop  }
__scs_overlays_trampoline_lowered:
0x8: {  	[smem:$0x3FAA] =	sst s0  }
0x9: {  	[smem:$0x3FAB] =	sst s1  }
0xa: {  	[smem:$0x3FAC] =	sst s2  }
0xb: {  	[smem:$0x3FAD] =	sst s3  }
0xc: {  	[smem:$0x3FAE] =	sst s4  }
0xd: {  	[smem:$0x3FAF] =	sst s5  }
0xe: {  	[smem:$0x3FB0] =	sst s6  }
0xf: {  	[smem:$0x3FB1] =	sst s7  }
0x10: {  	[smem:$0x3FB2] =	sst s8  }
0x11: {  	[smem:$0x3FB3] =	sst s9;
	s0 =	simm.s32 @!p0 $0x0  }
0x12: {  	s1 =	sld [smem:$0x3F99];
	s0 =	simm.s32 @p0 $0x1  }
0x13: {  	[smem:$0x3FB4] =	sst s0;
	s0 =	simm.s32 @!p1 $0x0  }
0x14: {  	s2 =	sld [smem:$0x3F98];
	s0 =	simm.s32 @p1 $0x1  }
0x15: {  	[smem:$0x3FB5] =	sst s0;
	s0 =	simm.s32 @!p2 $0x0  }
0x16: {  	s3 =	sld [smem:$0x3FDB];
	s0 =	simm.s32 @p2 $0x1  }
0x17: {  	s4 =	simm.s32 $0x1BF5;
	[smem:$0x3FB7] =	sst s0  }
0x18: {  	s0 =	sld [smem:$0x3F9A];
	_ =	swait.ge [sflag:s4], $0x0  }
0x19: {  	s7 =	sld [smem:$0x3F9B]  }
0x1a: {  	s8 =	sadd.s32 $0xFFFFE003, lr  }
0x1b: {  	s9 =	sadd.s32 $0xFFFFFEF7, lr;
	s5 =	simm.s32 $0xFFFFFFFF;
	p2 =	slt.u32 s8, $0xFFFFF086  }
0x1c: {  	p1 =	slt.u32 s9, $0xF7A;
	s5 =	simm.s32 @!p2 $0x0  }
0x1d: {  	s5 =	simm.s32 @p1 $0x1;
	p0 =	seq.s32 s7, s2  }
0x1e: {  	s7 =	smul.u32 @!p0 $0xF7A, s2;
	p2 =	seq.s32 @!p0 s5, $0x0  }
0x1f: {  	s9 =	smul.u32 $0xF7A, s1;
	s8 =	simm.s32 @!p0 $0x1BF5;
	p2 =	por !p2, p0  }
0x20: {  	[sflag:s8] =	ssyncset.s32 @!p0 $0xFFFFF086;
	s6 =	sadd.s32 @!p0 s3, s7;
	s7 =	simm.s32 @!p0 $0x108  }
0x21: {  	s3 =	sadd.s32 s3, s9;
	s6 =	sadd.s32 @!p0 $0x88, s6;
	s7 =	simm.s32 @p2 $0x1082  }
0x22: {  	[simem:s7], [sflag:s8] =	dma.local @!p0 [hbm:s6], $0xF7A  }
0x23: {  	s9 =	sor.u32 $0xD0000000, s2;
	s6 =	simm.s32 $0x108;
	_ =	swait.ge @!p0 [sflag:s8], $0x0  }
0x24: {  	s3 =	sadd.s32 $0x88, s3;
	s6 =	simm.s32 @!p1 $0x1082;
	[sflag:s4] =	ssyncset.s32 $0xFFFFF086  }
0x25: {  	[simem:s6], [sflag:s4] =	dma.local [hbm:s3], $0xF7A  }
0x26: {  	[smem:$0x3F9B] =	sst s1;
	(tag) =	ssettag s2;
	_ =	strace s9  }
0x27: {  	s1 =	sld [smem:$0x3FAB]  }
0x28: {  	s2 =	sld [smem:$0x3FAC]  }
0x29: {  	s4 =	sld [smem:$0x3FAE]  }
0x2a: {  	p0 =	seq.s32 s5, $0x0;
	s5 =	sld [smem:$0x3FAF]  }
0x2b: {  	s6 =	sld [smem:$0x3FB0]  }
0x2c: {  	s7 =	sld [smem:$0x3FB1]  }
0x2d: {  	s3 =	simm.s32 $0x108;
	s8 =	sld [smem:$0x3FB2]  }
0x2e: {  	s3 =	simm.s32 @!p0 $0x1082;
	s9 =	sld [smem:$0x3FB3]  }
0x2f: {  	lr =	sadd.s32 s0, s3;
	s0 =	sld [smem:$0x3FAA]  }
0x30: {  	s3 =	sld [smem:$0x3FAD]  }
0x31: {  	[smem:$0x3FB6] =	sst s10  }
0x32: {  	s10 =	sld [smem:$0x3FB4];
	_ =	sdelay $0x3  }
0x33: {  	p0 =	seq.s32 s10, $0x1;
	s10 =	sld [smem:$0x3FB6];
	_ =	sdelay $0x3  }
0x34: {  	[smem:$0x3FB6] =	sst s10  }
0x35: {  	s10 =	sld [smem:$0x3FB5];
	_ =	sdelay $0x3  }
0x36: {  	p1 =	seq.s32 s10, $0x1;
	s10 =	sld [smem:$0x3FB6];
	_ =	sdelay $0x3  }
0x37: {  	[smem:$0x3FB6] =	sst s10  }
0x38: {  	s10 =	sld [smem:$0x3FB7]  }
0x39: {  	_ = 	snop;
	(pc) =	sbr.ind lr, $3  }
0x3a: {  	_ = 	snop  }
0x3b: {  	_ = 	snop  }
0x3c: {  	p2 =	seq.s32 s10, $0x1;
	s10 =	sld [smem:$0x3FB6]  }
0x3d: {  	_ =	shalt  }
0x3e: {  	_ =	shalt  }
0x3f: {  	_ =	shalt  }
0x40: {  	_ =	shalt  }
0x41: {  	_ =	shalt  }
0x42: {  	_ =	shalt  }
0x43: {  	_ =	shalt  }
0x44: {  	_ =	shalt  }
0x45: {  	_ =	shalt  }
0x46: {  	_ =	shalt  }
0x47: {  	_ =	shalt  }
0x48: {  	_ =	shalt  }
0x49: {  	_ =	shalt  }
0x4a: {  	_ =	shalt  }
0x4b: {  	_ =	shalt  }
0x4c: {  	_ =	shalt  }
0x4d: {  	_ =	shalt  }
0x4e: {  	_ =	shalt  }
0x4f: {  	_ =	shalt  }
0x50: {  	_ =	shalt  }
0x51: {  	_ =	shalt  }
0x52: {  	_ =	shalt  }
0x53: {  	_ =	shalt  }
0x54: {  	_ =	shalt  }
0x55: {  	_ =	shalt  }
0x56: {  	_ =	shalt  }
0x57: {  	_ =	shalt  }
0x58: {  	_ =	shalt  }
0x59: {  	_ =	shalt  }
0x5a: {  	_ =	shalt  }
0x5b: {  	_ =	shalt  }
0x5c: {  	_ =	shalt  }
0x5d: {  	_ =	shalt  }
0x5e: {  	_ =	shalt  }
0x5f: {  	_ =	shalt  }
0x60: {  	_ =	shalt  }
0x61: {  	_ =	shalt  }
0x62: {  	_ =	shalt  }
0x63: {  	_ =	shalt  }
0x64: {  	_ =	shalt  }
0x65: {  	_ =	shalt  }
0x66: {  	_ =	shalt  }
0x67: {  	_ =	shalt  }
0x68: {  	_ =	shalt  }
0x69: {  	_ =	shalt  }
0x6a: {  	_ =	shalt  }
0x6b: {  	_ =	shalt  }
0x6c: {  	_ =	shalt  }
0x6d: {  	_ =	shalt  }
0x6e: {  	_ =	shalt  }
0x6f: {  	_ =	shalt  }
0x70: {  	_ =	shalt  }
0x71: {  	_ =	shalt  }
0x72: {  	_ =	shalt  }
0x73: {  	_ =	shalt  }
0x74: {  	_ =	shalt  }
0x75: {  	_ =	shalt  }
0x76: {  	_ =	shalt  }
0x77: {  	_ =	shalt  }
0x78: {  	_ =	shalt  }
0x79: {  	_ =	shalt  }
0x7a: {  	_ =	shalt  }
0x7b: {  	_ =	shalt  }
0x7c: {  	_ =	shalt  }
0x7d: {  	_ =	shalt  }
0x7e: {  	_ =	shalt  }
0x7f: {  	_ =	shalt  }
0x80: {  	_ =	shalt  }
0x81: {  	_ =	shalt  }
0x82: {  	_ =	shalt  }
0x83: {  	_ =	shalt  }
0x84: {  	_ =	shalt  }
0x85: {  	_ =	shalt  }
0x86: {  	_ =	shalt  }
0x87: {  	_ =	shalt  }
.Lfunc_end0:
.L_simem_size_0:
called_computation.2_lowered:
.L_overlay_start_0:
0x88: {  	s2 =	sld [smem:$0x3FD9]  }
0x89: {  	s3 =	sld [smem:$0x3FFE];
	_ =	sdelay $0x1  }
0x8a: {  	s1 =	srdreg.scid  }
0x8b: {  	s0 =	sand.u32 $0x1, s1  }
0x8c: {  	s17 =	sshll.u32 s0, $0xA;
	s2 =	sadd.s32 s3, s2  }
0x8d: {  	s2 =	sadd.s32 s2, s17  }
0x8e: {  	[smem:$0x3FC2] =	sst s2  }
0x8f: {  	_ = 	snop  }
0x90: {  	s2 =	sld [smem:$0x3FD0];
	(tm) =	ssettm $0x1  }
0x91: {  	s18 =	sld [smem:$0x3FFB];
	_ =	sdelay $0x3  }
0x92: {  	_ =	strace s18  }
0x93: {  	s3 =	sld [smem:$0x3FFC];
	_ =	sdelay $0x3  }
0x94: {  	_ =	strace s3  }
0x95: {  	s3 =	sld [smem:$0x3FFD];
	_ =	sdelay $0x3  }
0x96: {  	_ =	strace s3  }
0x97: {  	_ =	strace $0x8FFFFFFF  }
0x98: {  	s19 =	sld [smem:$0x3FDB];
	_ =	sdelay $0x1  }
0x99: {  	s4 =	simm.s32 $_scs_section_size  }
0x9a: {  	s5 =	simm.s32 $_size__tile_overlayer_lowered;
	s6 =	simm.s32 $_tile_overlayer_lowered  }
0x9b: {  	s22 =	simm.s32 $0x1BFF;
	s21 =	sshll.u32 s6, $0x1;
	s3 =	sadd.s32 s4, s19  }
0x9c: {  	s7 =	simm.s32 $0x0;
	s20 =	sshll.u32 s5, $0x1;
	s5 =	sadd.s32 s21, s3  }
0x9d: {  	[timem:s7], [sflag:s22] =	dma.local [hbm:s5], s20  }
0x9e: {  	_ =	swait.ge [sflag:s22], s20  }
0x9f: {  	s4 =	ssub.s32 $0x0, s20;
	[sflag:s22] =	ssyncset.done $0x0  }
0xa0: {  	[sflag:s22] =	ssyncadd.s32 s4;
	_ =	sdelay $0x1  }
0xa1: {  	s23 =	simm.s32 $0x1B8B  }
0xa2: {  	_ =	swait.ge [sflag:s23], $0x1  }
0xa3: {  	[sflag:s23] =	ssyncset.done $0x0  }
0xa4: {  	s25 =	simm.s32 $0x1B8E;
	s24 =	sld [smem:$0x3FFE];
	[sflag:s23] =	ssyncadd.s32 $0xFFFFFFFF  }
0xa5: {  	s26 =	simm.s32 $execute0_lowered;
	[smem:$0x3FD2] =	sst s25  }
0xa6: {  	s5 =	sshll.u32 s26, $0x1;
	_ =	strace $0x8000004C;
	[dreg:$0x1] =	wrdreg $0xFFFFFFFF  }
0xa7: {  	s28 =	simm.s32 $_size_execute0_lowered;
	s3 =	sadd.s32 s3, s5;
	[dreg:$0x0] =	wrdreg $0x0  }
0xa8: {  	s5 =	sshll.u32 s28, $0x1;
	[dreg:$0x2] =	wrdreg s3  }
0xa9: {  	[dreg:$0x3] =	wrdreg s5  }
0xaa: {  	[dreg:$0x4] =	wrdreg $0xC0  }
0xab: {  	_ =	task [dreg:s7], $0x5FFFF  }
0xac: {  	[dreg:$0x1] =	wrdreg $0xFFFFFFFF  }
0xad: {  	[dreg:$0x0] =	wrdreg $0x60  }
0xae: {  	[dreg:$0x2] =	wrdreg s24  }
0xaf: {  	[dreg:$0x3] =	wrdreg s2  }
0xb0: {  	[dreg:$0x4] =	wrdreg $0x57000  }
0xb1: {  	[dreg:$0x5] =	wrdreg $0x9  }
0xb2: {  	_ =	task.clear_ibuf [dreg:s7], $0x6FFFF;
	_ =	strace $0x9000004C  }
0xb3: {  	s29 =	simm.s32 $0x9;
	_ =	strace $0x8000004E  }
0xb4: {  	_ =	swait.ge [sflag:s29], $0x1  }
0xb5: {  	[sflag:s29] =	ssyncadd.s32 $0xFFFFFFFF  }
0xb6: {  	_ =	strace $0x9000004E  }
0xb7: {  	_ =	sfence  }
0xb8: {  	s30 =	sld [smem:$0x0];
	_ =	sdelay $0x2  }
0xb9: {  	s31 =	sshll.u32 s1, $0xD;
	s1 =	sshrl.u32 s1, $0x2  }
0xba: {  	s3 =	sand.u32 $0x4000, s31;
	s1 =	sadd.s32 s1, s30  }
0xbb: {  	s0 =	sor.u32 s3, s0;
	s1 =	sshll.u32 s1, $0x11  }
0xbc: {  	s0 =	sor.u32 s1, s0  }
0xbd: {  	s0 =	sadd.s32 $0x8F2B, s0  }
0xbe: {  	[sflag:s0] =	ssyncadd.remote.s32 $0x1  }
0xbf: {  	_ =	sfence.sel $0xFFFF  }
0xc0: {  	[dreg:$0x0] =	wrdreg $0xFFFFFFFF;
	(pc) =	sbr.abs _section_cstart, $3  }
0xc1: {  	[dreg:$0x1] =	wrdreg $0xFFFFFFFF  }
0xc2: {  	_ =	task.clear_ibuf [dreg:s7], $0x2FFFF;
	_ =	strace $0x9FFFFFFF  }
0xc3: {  	(tm) =	ssettm $0x7FFFFFFF  }
tec
execute0_lowered:
.L_overlay_start_1:
0x0: {  	(tag) =	ssettag $0x1  }
0x1: {  	s5 =	rddreg [dreg:$0x0]  }
0x2: {  	s0 =	srdreg.scid;
	s9 =	rddreg [dreg:$0x1]  }
0x3: {  	s2 =	rddreg [dreg:$0x2];
	s1 =	stileid.u32  }
0x4: {  	s3 =	simm.s32 $0x0;
	s14 =	simm.s32 $0x80;
	s15 =	simm.s32 $0x4F00  }
0x5: {  	s16 =	simm.s32 $0x0;
	s6 =	sand.u32 $0x1, s0;
	s0 =	rddreg [dreg:$0x3]  }
0x6: {  	[smem:$0x7FF] =	sst s3;
	s8 =	smul.u32 $0x2800, s1;
	s31 =	sshll.u32 s1, $0x6  }
0x7: {  	s4 =	sshll.u32 s6, $0x4;
	_ =	strace $0x8000004D;
	s28 =	ssub.s32 $0x2, s6  }
0x8: {  	s6 =	smul.u32 $0x28000, s6;
	s4 =	sor.u32 s1, s4;
	s11 =	sshrl.u32 s8, $0x3  }
0x9: {  	s12 =	sshrl.u32 s28, $0x1;
	s30 =	sadd.s32 s8, s2;
	s7 =	smul.u32 $0x4F0, s4  }
0xa: {  	s4 =	sadd.s32 $0x15800, s5;
	s29 =	ssub.s32 s28, s12;
	s8 =	sadd.s32 s8, s6  }
0xb: {  	s6 =	sor.u32 $0x1C01, s31;
	s12 =	simm.s32 $0x1;
	s13 =	sshrl.u32 s8, $0x3  }
0xc: {  	s10 =	sadd.s32 s7, s5;
	s5 =	sadd.s32 s11, s5;
	s9 =	sadd.s32 s9, s13  }
0xd: {  	s11 =	sshrl.u32 s30, $0x3;
	s13 =	simm.s32 $0x2780;
	s5 =	sadd.s32 $0x1A800, s5  }
0xe: {  	s7 =	sadd.s32 $0xBA00, s10;
	s8 =	sadd.s32 $0x1600, s10;
	s10 =	smax.u32 s29, $0x1  }
.LBB2_1:
0xf: {  	[spmem:s11], [sflag:s6] =	dma.local [hbm:s5], $0x500  }
0x10: {  	_ =	swait.ge [sflag:s12], $0x500  }
0x11: {  	[sflag:s12] =	ssyncset.done $0x0  }
0x12: {  	[sflag:s12] =	ssyncadd.s32 $0xFFFFFB00  }
0x13: {  	[tilespmem:s3], [sflag:$0x1] =	stream.linear.gather [hbm4b:s7+s3], $0x2780, $0x38;
	[tilespmem:$0x7F00] =	vst v63  }
0x14: {  	_ =	swait.ge [sflag:s12], $0x2780  }
0x15: {  	[sflag:s12] =	ssyncset.done $0x0  }
0x16: {  	[sflag:s12] =	ssyncadd.s32 $0xFFFFD880  }
0x17: {  	[tilespmem:s13], [sflag:$0x1] =	stream.linear.gather [hbm4b:s8+s3], $0x2780, $0x38;
	[tilespmem:$0x7F00] =	vst v63  }
0x18: {  	_ =	swait.ge [sflag:s12], $0x2780  }
0x19: {  	[sflag:s12] =	ssyncset.done $0x0  }
0x1a: {  	[sflag:s12] =	ssyncadd.s32 $0xFFFFD880  }
0x1b: {  	s17 =	simm.s32 $0x0;
	[bflag:$0x0] =	sbarrier.arrive $0xFFFF  }
0x1c: {  	[tilespmem:s15], [sflag:$0x1] =	stream.indirect.gather [hbm4b:s4+s14], $0x10, s17, s14, $0xb8;
	[tilespmem:$0x7F00] =	vst v63  }
0x1d: {  	_ =	swait.ge [sflag:s12], $0x800  }
0x1e: {  	[sflag:s12] =	ssyncset.done $0x0  }
0x1f: {  	s31 =	simm.s32 $0x2780;
	[sflag:s12] =	ssyncadd.s32 $0xFFFFF800  }
0x20: {  	[spmem:s2] =	stream.indirect.scatter.add.f32 [tilespmem:s15], [sflag:$0x1], $0x10, s31, s14, $0xb8;
	[tilespmem:$0x7F00] =	vst v63  }
0x21: {  	_ =	swait.ge [sflag:s12], $0x800  }
0x22: {  	s18 =	simm.s32 $0x400;
	s17 =	simm.s32 $0x200;
	[sflag:s12] =	ssyncset.done $0x0  }
.LBB2_2:
0x23: {  	s19 =	sshra.s32 s17, $0x2  }
0x24: {  	[sflag:s12] =	ssyncadd.s32 $0xFFFFF800;
	s17 =	smov.u32 s18;
	s20 =	sadd.s32 $0x200, s18  }
0x25: {  	[tilespmem:s15], [sflag:$0x1] =	stream.indirect.gather [hbm4b:s4+s14], $0x10, s19, s14, $0xb8;
	[tilespmem:$0x7F00] =	vst v63  }
0x26: {  	p0 =	sne.s32 s18, $0x9C00;
	_ =	swait.ge [sflag:s12], $0x800  }
.Ltmp0:
0x27: {  	[sflag:s12] =	ssyncset.done $0x0;
	(pc) =	sbr.rel @p0 .LBB2_2-.Ltmp0, $4  }
0x28: {  	s18 =	sadd.s32 $0x2780, s19;
	[sflag:s12] =	ssyncadd.s32 $0xFFFFF800  }
0x29: {  	[spmem:s2] =	stream.indirect.scatter.add.f32 [tilespmem:s15], [sflag:$0x1], $0x10, s18, s14, $0xb8;
	[tilespmem:$0x7F00] =	vst v63  }
0x2a: {  	_ =	swait.ge [sflag:s12], $0x800  }
0x2b: {  	s18 =	smov.u32 s20;
	[sflag:s12] =	ssyncset.done $0x0  }
0x2c: {  	s17 =	sshra.s32 s17, $0x2;
	[sflag:s12] =	ssyncadd.s32 $0xFFFFF800  }
0x2d: {  	[tilespmem:s15], [sflag:$0x1] =	stream.indirect.gather [hbm4b:s4+s14], $0x10, s17, s14, $0xb8;
	[tilespmem:$0x7F00] =	vst v63  }
0x2e: {  	_ =	swait.ge [sflag:s12], $0x800  }
0x2f: {  	[sflag:s12] =	ssyncset.done $0x0  }
0x30: {  	s17 =	sadd.s32 $0x2780, s17;
	[sflag:s12] =	ssyncadd.s32 $0xFFFFF800  }
0x31: {  	[spmem:s2] =	stream.indirect.scatter.add.f32 [tilespmem:s15], [sflag:$0x1], $0x10, s17, s14, $0xb8;
	[tilespmem:$0x7F00] =	vst v63  }
0x32: {  	_ =	swait.ge [sflag:s12], $0x800  }
0x33: {  	s16 =	sadd.s32 $0x1, s16;
	[sflag:s12] =	ssyncset.done $0x0  }
0x34: {  	p0 =	sne.s32 s16, s10;
	[sflag:s12] =	ssyncadd.s32 $0xFFFFF800  }
.Ltmp1:
0x35: {  	[bflag:$0x0] =	sbarrier.arrive $0xFFFF;
	(pc) =	sbr.rel @p0 .LBB2_1-.Ltmp1, $4  }
0x36: {  	[hbm:s9], [sflag:s6] =	dma.local [spmem:s11], $0x500  }
0x37: {  	_ =	swait.ge [sflag:s12], $0x500  }
0x38: {  	[sflag:s12] =	ssyncset.done $0x0  }
0x39: {  	[sflag:s12] =	ssyncadd.s32 $0xFFFFFB00  }
0x3a: {  	_ =	sfence.sel $0x180000  }
0x3b: {  	[bflag:$0x0] =	sbarrier.arrive $0xFFFF  }
0x3c: {  	p0 =	sne.s32 s1, $0x0;
	_ =	strace $0x9000004D  }
0x3d: {  	s0 =	sadd.s32 @!p0 $0x100000, s0;
	[bflag:$0x2] =	sbarrier.arrive $0xFFFF  }
0x3e: {  	[sflag:s0] =	ssyncadd.tile.s32 @!p0 $0x1;
	_ =	shalt  }
.Lfunc_end2:
_tile_overlayer_lowered:
.L_overlay_start_2:
0x3f: {  	(tag) =	ssettag $0x2  }
0x40: {  	s0 =	rddreg [dreg:$0x0];
	s2 =	stileid.u32  }
0x41: {  	s1 =	rddreg [dreg:$0x1];
	p0 =	sne.s32 s2, $0x0  }
0x42: {  	s3 =	rddreg [dreg:$0x2];
	[bflag:$0x3] =	sbarrier.arrive $0xFFFF;
	s2 =	simm.s32 @!p0 $0x1C01  }
0x43: {  	[timem:s3], [sflag:s2] =	dma.local @!p0 [hbm:s0], s1  }
0x44: {  	s0 =	simm.s32 @!p0 $0x1  }
0x45: {  	_ =	swait.ge @!p0 [sflag:s0], s1  }
0x46: {  	s1 =	ssub.s32 @!p0 $0x0, s1;
	[sflag:s0] =	ssyncset.done @!p0 $0x0  }
0x47: {  	[sflag:s0] =	ssyncadd.s32 @!p0 s1  }
0x48: {  	[bflag:$0x3] =	sbarrier.arrive $0xFFFF  }
0x49: {  	_ =	shalt  }

// kernel: kernel.8.cloned.1.call-start
scs
__scs_entry_jumppad:
0x0: {  	(pc) =	sbr.rel $0x88, $3  }
0x1: {  	(tag) =	ssettag $0x0;
	lr =	simm.s32 $0x1  }
0x2: {  	[smem:$0x3F9B] =	sst lr;
	_ =	strace $0xD0000000  }
0x3: {  	_ = 	snop  }
0x4: {  	_ = 	snop  }
0x5: {  	_ = 	snop  }
0x6: {  	_ = 	snop  }
0x7: {  	_ = 	snop  }
__scs_overlays_trampoline_lowered:
0x8: {  	[smem:$0x3FAA] =	sst s0  }
0x9: {  	[smem:$0x3FAB] =	sst s1  }
0xa: {  	[smem:$0x3FAC] =	sst s2  }
0xb: {  	[smem:$0x3FAD] =	sst s3  }
0xc: {  	[smem:$0x3FAE] =	sst s4  }
0xd: {  	[smem:$0x3FAF] =	sst s5  }
0xe: {  	[smem:$0x3FB0] =	sst s6  }
0xf: {  	[smem:$0x3FB1] =	sst s7  }
0x10: {  	[smem:$0x3FB2] =	sst s8  }
0x11: {  	[smem:$0x3FB3] =	sst s9;
	s0 =	simm.s32 @!p0 $0x0  }
0x12: {  	s1 =	sld [smem:$0x3F99];
	s0 =	simm.s32 @p0 $0x1  }
0x13: {  	[smem:$0x3FB4] =	sst s0;
	s0 =	simm.s32 @!p1 $0x0  }
0x14: {  	s2 =	sld [smem:$0x3F98];
	s0 =	simm.s32 @p1 $0x1  }
0x15: {  	[smem:$0x3FB5] =	sst s0;
	s0 =	simm.s32 @!p2 $0x0  }
0x16: {  	s3 =	sld [smem:$0x3FDB];
	s0 =	simm.s32 @p2 $0x1  }
0x17: {  	s4 =	simm.s32 $0x1BF5;
	[smem:$0x3FB7] =	sst s0  }
0x18: {  	s0 =	sld [smem:$0x3F9A];
	_ =	swait.ge [sflag:s4], $0x0  }
0x19: {  	s7 =	sld [smem:$0x3F9B]  }
0x1a: {  	s8 =	sadd.s32 $0xFFFFE003, lr  }
0x1b: {  	s9 =	sadd.s32 $0xFFFFFEF7, lr;
	s5 =	simm.s32 $0xFFFFFFFF;
	p2 =	slt.u32 s8, $0xFFFFF086  }
0x1c: {  	p1 =	slt.u32 s9, $0xF7A;
	s5 =	simm.s32 @!p2 $0x0  }
0x1d: {  	s5 =	simm.s32 @p1 $0x1;
	p0 =	seq.s32 s7, s2  }
0x1e: {  	s7 =	smul.u32 @!p0 $0xF7A, s2;
	p2 =	seq.s32 @!p0 s5, $0x0  }
0x1f: {  	s9 =	smul.u32 $0xF7A, s1;
	s8 =	simm.s32 @!p0 $0x1BF5;
	p2 =	por !p2, p0  }
0x20: {  	[sflag:s8] =	ssyncset.s32 @!p0 $0xFFFFF086;
	s6 =	sadd.s32 @!p0 s3, s7;
	s7 =	simm.s32 @!p0 $0x108  }
0x21: {  	s3 =	sadd.s32 s3, s9;
	s6 =	sadd.s32 @!p0 $0x88, s6;
	s7 =	simm.s32 @p2 $0x1082  }
0x22: {  	[simem:s7], [sflag:s8] =	dma.local @!p0 [hbm:s6], $0xF7A  }
0x23: {  	s9 =	sor.u32 $0xD0000000, s2;
	s6 =	simm.s32 $0x108;
	_ =	swait.ge @!p0 [sflag:s8], $0x0  }
0x24: {  	s3 =	sadd.s32 $0x88, s3;
	s6 =	simm.s32 @!p1 $0x1082;
	[sflag:s4] =	ssyncset.s32 $0xFFFFF086  }
0x25: {  	[simem:s6], [sflag:s4] =	dma.local [hbm:s3], $0xF7A  }
0x26: {  	[smem:$0x3F9B] =	sst s1;
	(tag) =	ssettag s2;
	_ =	strace s9  }
0x27: {  	s1 =	sld [smem:$0x3FAB]  }
0x28: {  	s2 =	sld [smem:$0x3FAC]  }
0x29: {  	s4 =	sld [smem:$0x3FAE]  }
0x2a: {  	p0 =	seq.s32 s5, $0x0;
	s5 =	sld [smem:$0x3FAF]  }
0x2b: {  	s6 =	sld [smem:$0x3FB0]  }
0x2c: {  	s7 =	sld [smem:$0x3FB1]  }
0x2d: {  	s3 =	simm.s32 $0x108;
	s8 =	sld [smem:$0x3FB2]  }
0x2e: {  	s3 =	simm.s32 @!p0 $0x1082;
	s9 =	sld [smem:$0x3FB3]  }
0x2f: {  	lr =	sadd.s32 s0, s3;
	s0 =	sld [smem:$0x3FAA]  }
0x30: {  	s3 =	sld [smem:$0x3FAD]  }
0x31: {  	[smem:$0x3FB6] =	sst s10  }
0x32: {  	s10 =	sld [smem:$0x3FB4];
	_ =	sdelay $0x3  }
0x33: {  	p0 =	seq.s32 s10, $0x1;
	s10 =	sld [smem:$0x3FB6];
	_ =	sdelay $0x3  }
0x34: {  	[smem:$0x3FB6] =	sst s10  }
0x35: {  	s10 =	sld [smem:$0x3FB5];
	_ =	sdelay $0x3  }
0x36: {  	p1 =	seq.s32 s10, $0x1;
	s10 =	sld [smem:$0x3FB6];
	_ =	sdelay $0x3  }
0x37: {  	[smem:$0x3FB6] =	sst s10  }
0x38: {  	s10 =	sld [smem:$0x3FB7]  }
0x39: {  	_ = 	snop;
	(pc) =	sbr.ind lr, $3  }
0x3a: {  	_ = 	snop  }
0x3b: {  	_ = 	snop  }
0x3c: {  	p2 =	seq.s32 s10, $0x1;
	s10 =	sld [smem:$0x3FB6]  }
0x3d: {  	_ =	shalt  }
0x3e: {  	_ =	shalt  }
0x3f: {  	_ =	shalt  }
0x40: {  	_ =	shalt  }
0x41: {  	_ =	shalt  }
0x42: {  	_ =	shalt  }
0x43: {  	_ =	shalt  }
0x44: {  	_ =	shalt  }
0x45: {  	_ =	shalt  }
0x46: {  	_ =	shalt  }
0x47: {  	_ =	shalt  }
0x48: {  	_ =	shalt  }
0x49: {  	_ =	shalt  }
0x4a: {  	_ =	shalt  }
0x4b: {  	_ =	shalt  }
0x4c: {  	_ =	shalt  }
0x4d: {  	_ =	shalt  }
0x4e: {  	_ =	shalt  }
0x4f: {  	_ =	shalt  }
0x50: {  	_ =	shalt  }
0x51: {  	_ =	shalt  }
0x52: {  	_ =	shalt  }
0x53: {  	_ =	shalt  }
0x54: {  	_ =	shalt  }
0x55: {  	_ =	shalt  }
0x56: {  	_ =	shalt  }
0x57: {  	_ =	shalt  }
0x58: {  	_ =	shalt  }
0x59: {  	_ =	shalt  }
0x5a: {  	_ =	shalt  }
0x5b: {  	_ =	shalt  }
0x5c: {  	_ =	shalt  }
0x5d: {  	_ =	shalt  }
0x5e: {  	_ =	shalt  }
0x5f: {  	_ =	shalt  }
0x60: {  	_ =	shalt  }
0x61: {  	_ =	shalt  }
0x62: {  	_ =	shalt  }
0x63: {  	_ =	shalt  }
0x64: {  	_ =	shalt  }
0x65: {  	_ =	shalt  }
0x66: {  	_ =	shalt  }
0x67: {  	_ =	shalt  }
0x68: {  	_ =	shalt  }
0x69: {  	_ =	shalt  }
0x6a: {  	_ =	shalt  }
0x6b: {  	_ =	shalt  }
0x6c: {  	_ =	shalt  }
0x6d: {  	_ =	shalt  }
0x6e: {  	_ =	shalt  }
0x6f: {  	_ =	shalt  }
0x70: {  	_ =	shalt  }
0x71: {  	_ =	shalt  }
0x72: {  	_ =	shalt  }
0x73: {  	_ =	shalt  }
0x74: {  	_ =	shalt  }
0x75: {  	_ =	shalt  }
0x76: {  	_ =	shalt  }
0x77: {  	_ =	shalt  }
0x78: {  	_ =	shalt  }
0x79: {  	_ =	shalt  }
0x7a: {  	_ =	shalt  }
0x7b: {  	_ =	shalt  }
0x7c: {  	_ =	shalt  }
0x7d: {  	_ =	shalt  }
0x7e: {  	_ =	shalt  }
0x7f: {  	_ =	shalt  }
0x80: {  	_ =	shalt  }
0x81: {  	_ =	shalt  }
0x82: {  	_ =	shalt  }
0x83: {  	_ =	shalt  }
0x84: {  	_ =	shalt  }
0x85: {  	_ =	shalt  }
0x86: {  	_ =	shalt  }
0x87: {  	_ =	shalt  }
.Lfunc_end0:
.L_simem_size_0:
called_computation_lowered:
.L_overlay_start_0:
0x88: {  	s2 =	sld [smem:$0x3FD9]  }
0x89: {  	s3 =	sld [smem:$0x3FFE];
	_ =	sdelay $0x1  }
0x8a: {  	s1 =	srdreg.scid  }
0x8b: {  	s0 =	sand.u32 $0x1, s1  }
0x8c: {  	s17 =	sshll.u32 s0, $0xA;
	s2 =	sadd.s32 s3, s2  }
0x8d: {  	s2 =	sadd.s32 s2, s17  }
0x8e: {  	[smem:$0x3FC2] =	sst s2  }
0x8f: {  	_ = 	snop  }
0x90: {  	s2 =	sld [smem:$0x3FD0];
	(tm) =	ssettm $0x1  }
0x91: {  	s18 =	sld [smem:$0x3FFB];
	_ =	sdelay $0x3  }
0x92: {  	_ =	strace s18  }
0x93: {  	s3 =	sld [smem:$0x3FFC];
	_ =	sdelay $0x3  }
0x94: {  	_ =	strace s3  }
0x95: {  	s3 =	sld [smem:$0x3FFD];
	_ =	sdelay $0x3  }
0x96: {  	_ =	strace s3  }
0x97: {  	_ =	strace $0x8FFFFFFF  }
0x98: {  	s19 =	sld [smem:$0x3FDB];
	_ =	sdelay $0x1  }
0x99: {  	s4 =	simm.s32 $_scs_section_size  }
0x9a: {  	s5 =	simm.s32 $_size__tile_overlayer_lowered;
	s6 =	simm.s32 $_tile_overlayer_lowered  }
0x9b: {  	s22 =	simm.s32 $0x1BFF;
	s21 =	sshll.u32 s6, $0x1;
	s3 =	sadd.s32 s4, s19  }
0x9c: {  	s7 =	simm.s32 $0x0;
	s20 =	sshll.u32 s5, $0x1;
	s5 =	sadd.s32 s21, s3  }
0x9d: {  	[timem:s7], [sflag:s22] =	dma.local [hbm:s5], s20  }
0x9e: {  	_ =	swait.ge [sflag:s22], s20  }
0x9f: {  	s4 =	ssub.s32 $0x0, s20;
	[sflag:s22] =	ssyncset.done $0x0  }
0xa0: {  	[sflag:s22] =	ssyncadd.s32 s4;
	_ =	sdelay $0x1  }
0xa1: {  	s23 =	simm.s32 $0x1B8B  }
0xa2: {  	_ =	swait.ge [sflag:s23], $0x1  }
0xa3: {  	[sflag:s23] =	ssyncset.done $0x0  }
0xa4: {  	s25 =	simm.s32 $0x1B8E;
	s24 =	sld [smem:$0x3FFE];
	[sflag:s23] =	ssyncadd.s32 $0xFFFFFFFF  }
0xa5: {  	s26 =	simm.s32 $execute0_lowered;
	[smem:$0x3FD2] =	sst s25  }
0xa6: {  	s5 =	sshll.u32 s26, $0x1;
	_ =	strace $0x80000046;
	[dreg:$0x1] =	wrdreg $0xFFFFFFFF  }
0xa7: {  	s28 =	simm.s32 $_size_execute0_lowered;
	s3 =	sadd.s32 s3, s5;
	[dreg:$0x0] =	wrdreg $0x0  }
0xa8: {  	s5 =	sshll.u32 s28, $0x1;
	[dreg:$0x2] =	wrdreg s3  }
0xa9: {  	[dreg:$0x3] =	wrdreg s5  }
0xaa: {  	[dreg:$0x4] =	wrdreg $0xC0  }
0xab: {  	_ =	task [dreg:s7], $0x5FFFF  }
0xac: {  	[dreg:$0x1] =	wrdreg $0xFFFFFFFF  }
0xad: {  	[dreg:$0x0] =	wrdreg $0x60  }
0xae: {  	[dreg:$0x2] =	wrdreg s24  }
0xaf: {  	[dreg:$0x3] =	wrdreg s2  }
0xb0: {  	[dreg:$0x4] =	wrdreg $0x28000  }
0xb1: {  	[dreg:$0x5] =	wrdreg $0x9  }
0xb2: {  	_ =	task.clear_ibuf [dreg:s7], $0x6FFFF;
	_ =	strace $0x90000046  }
0xb3: {  	s29 =	simm.s32 $0x9;
	_ =	strace $0x80000048  }
0xb4: {  	_ =	swait.ge [sflag:s29], $0x1  }
0xb5: {  	[sflag:s29] =	ssyncadd.s32 $0xFFFFFFFF  }
0xb6: {  	_ =	strace $0x90000048  }
0xb7: {  	_ =	sfence  }
0xb8: {  	s30 =	sld [smem:$0x0];
	_ =	sdelay $0x2  }
0xb9: {  	s31 =	sshll.u32 s1, $0xD;
	s1 =	sshrl.u32 s1, $0x2  }
0xba: {  	s3 =	sand.u32 $0x4000, s31;
	s1 =	sadd.s32 s1, s30  }
0xbb: {  	s0 =	sor.u32 s3, s0;
	s1 =	sshll.u32 s1, $0x11  }
0xbc: {  	s0 =	sor.u32 s1, s0  }
0xbd: {  	s0 =	sadd.s32 $0x8F2B, s0  }
0xbe: {  	[sflag:s0] =	ssyncadd.remote.s32 $0x1  }
0xbf: {  	_ =	sfence.sel $0xFFFF  }
0xc0: {  	[dreg:$0x0] =	wrdreg $0xFFFFFFFF;
	(pc) =	sbr.abs _section_cstart, $3  }
0xc1: {  	[dreg:$0x1] =	wrdreg $0xFFFFFFFF  }
0xc2: {  	_ =	task.clear_ibuf [dreg:s7], $0x2FFFF;
	_ =	strace $0x9FFFFFFF  }
0xc3: {  	(tm) =	ssettm $0x7FFFFFFF  }
tec
execute0_lowered:
.L_overlay_start_1:
0x0: {  	(tag) =	ssettag $0x1  }
0x1: {  	s4 =	rddreg [dreg:$0x0]  }
0x2: {  	s7 =	rddreg [dreg:$0x1]  }
0x3: {  	s1 =	rddreg [dreg:$0x2]  }
0x4: {  	s2 =	srdreg.scid;
	s0 =	rddreg [dreg:$0x3]  }
0x5: {  	s3 =	simm.s32 $0x0;
	s12 =	simm.s32 $0x2780;
	s13 =	simm.s32 $0x0  }
0x6: {  	s5 =	sand.u32 $0x1, s2;
	s2 =	stileid.u32;
	[smem:$0x7FF] =	sst s3  }
0x7: {  	s6 =	sshll.u32 s5, $0x4;
	s8 =	smul.u32 $0x280, s2;
	_ =	strace $0x80000047  }
0x8: {  	s10 =	ssub.s32 $0x2, s5;
	s5 =	smul.u32 $0x2800, s5;
	s6 =	sor.u32 s2, s6  }
0x9: {  	s31 =	sshll.u32 s2, $0x6;
	s29 =	sshrl.u32 s10, $0x1;
	s6 =	smul.u32 $0x4F0, s6  }
0xa: {  	s9 =	sshrl.u32 s8, $0x3;
	s30 =	sadd.s32 s8, s1;
	s5 =	sadd.s32 s8, s5  }
0xb: {  	s11 =	sshrl.u32 s5, $0x3;
	s5 =	sor.u32 $0x1C01, s31;
	s6 =	sadd.s32 s6, s4  }
0xc: {  	s4 =	sadd.s32 s9, s4;
	s9 =	ssub.s32 s10, s29;
	s7 =	sadd.s32 s7, s11  }
0xd: {  	s10 =	simm.s32 $0x1;
	s11 =	simm.s32 $0x80;
	s4 =	sadd.s32 $0xB400, s4  }
0xe: {  	v0 =	vimm.f32 $1.000000000e+00;
	s6 =	sadd.s32 $0x1600, s6;
	s8 =	smax.u32 s9, $0x1;
	s9 =	sshrl.u32 s30, $0x3  }
.LBB2_1:
0xf: {  	[spmem:s9], [sflag:s5] =	dma.local [hbm:s4], $0x50  }
0x10: {  	_ =	swait.ge [sflag:s10], $0x50  }
0x11: {  	[sflag:s10] =	ssyncset.done $0x0  }
0x12: {  	[sflag:s10] =	ssyncadd.s32 $0xFFFFFFB0  }
0x13: {  	[tilespmem:$0x2780] =	vst v0  }
0x14: {  	[tilespmem:$0x2790] =	vst v0  }
0x15: {  	[tilespmem:$0x27A0] =	vst v0  }
0x16: {  	[tilespmem:$0x27B0] =	vst v0  }
0x17: {  	[tilespmem:$0x27C0] =	vst v0  }
0x18: {  	[tilespmem:$0x27D0] =	vst v0  }
0x19: {  	[tilespmem:$0x27E0] =	vst v0  }
0x1a: {  	[tilespmem:$0x27F0] =	vst v0  }
0x1b: {  	[tilespmem:s3], [sflag:$0x1] =	stream.linear.gather [hbm4b:s6+s3], $0x2780, $0x38;
	[tilespmem:$0x2A80] =	vst v63  }
0x1c: {  	_ =	swait.ge [sflag:s10], $0x2780  }
0x1d: {  	[sflag:s10] =	ssyncset.done $0x0  }
0x1e: {  	[sflag:s10] =	ssyncadd.s32 $0xFFFFD880  }
0x1f: {  	s14 =	simm.s32 $0x0;
	[bflag:$0x0] =	sbarrier.arrive $0xFFFF  }
0x20: {  	[spmem:s1] =	stream.indirect.scatter.add.f32 [tilespmem:s12], [sflag:$0x1], $0x1, s14, s11, $0xb8;
	[tilespmem:$0x2A80] =	vst v63  }
0x21: {  	_ =	swait.ge [sflag:s10], $0x80  }
0x22: {  	s14 =	simm.s32 $0x200;
	[sflag:s10] =	ssyncset.done $0x0  }
.LBB2_2:
0x23: {  	s15 =	sshra.s32 s14, $0x2;
	[sflag:s10] =	ssyncadd.s32 $0xFFFFFF80;
	p0 =	sne.s32 s14, $0x9C00  }
0x24: {  	[spmem:s1] =	stream.indirect.scatter.add.f32 [tilespmem:s12], [sflag:$0x1], $0x1, s15, s11, $0xb8;
	[tilespmem:$0x2A80] =	vst v63  }
.Ltmp0:
0x25: {  	_ = 	snop;
	(pc) =	sbr.rel @p0 .LBB2_2-.Ltmp0, $4  }
0x26: {  	_ = 	snop  }
0x27: {  	s14 =	sadd.s32 $0x200, s14  }
0x28: {  	_ =	swait.ge [sflag:s10], $0x80  }
0x29: {  	[sflag:s10] =	ssyncset.done $0x0  }
0x2a: {  	s13 =	sadd.s32 $0x1, s13  }
0x2b: {  	[sflag:s10] =	ssyncadd.s32 $0xFFFFFF80;
	p0 =	sne.s32 s13, s8  }
.Ltmp1:
0x2c: {  	[bflag:$0x0] =	sbarrier.arrive $0xFFFF;
	(pc) =	sbr.rel @p0 .LBB2_1-.Ltmp1, $4  }
0x2d: {  	[hbm:s7], [sflag:s5] =	dma.local [spmem:s9], $0x50  }
0x2e: {  	_ =	swait.ge [sflag:s10], $0x50  }
0x2f: {  	[sflag:s10] =	ssyncset.done $0x0  }
0x30: {  	[sflag:s10] =	ssyncadd.s32 $0xFFFFFFB0  }
0x31: {  	_ =	sfence.sel $0x180000  }
0x32: {  	[bflag:$0x0] =	sbarrier.arrive $0xFFFF  }
0x33: {  	p0 =	sne.s32 s2, $0x0;
	_ =	strace $0x90000047  }
0x34: {  	s0 =	sadd.s32 @!p0 $0x100000, s0;
	[bflag:$0x2] =	sbarrier.arrive $0xFFFF  }
0x35: {  	[sflag:s0] =	ssyncadd.tile.s32 @!p0 $0x1;
	_ =	shalt  }
.Lfunc_end2:
_tile_overlayer_lowered:
.L_overlay_start_2:
0x36: {  	(tag) =	ssettag $0x2  }
0x37: {  	s0 =	rddreg [dreg:$0x0];
	s2 =	stileid.u32  }
0x38: {  	s1 =	rddreg [dreg:$0x1];
	p0 =	sne.s32 s2, $0x0  }
0x39: {  	s3 =	rddreg [dreg:$0x2];
	[bflag:$0x3] =	sbarrier.arrive $0xFFFF;
	s2 =	simm.s32 @!p0 $0x1C01  }
0x3a: {  	[timem:s3], [sflag:s2] =	dma.local @!p0 [hbm:s0], s1  }
0x3b: {  	s0 =	simm.s32 @!p0 $0x1  }
0x3c: {  	_ =	swait.ge @!p0 [sflag:s0], s1  }
0x3d: {  	s1 =	ssub.s32 @!p0 $0x0, s1;
	[sflag:s0] =	ssyncset.done @!p0 $0x0  }
0x3e: {  	[sflag:s0] =	ssyncadd.s32 @!p0 s1  }
0x3f: {  	[bflag:$0x3] =	sbarrier.arrive $0xFFFF  }
0x40: {  	_ =	shalt  }

</sc_bundles>
